<compile_context>
chip_gen: v7x
topology: tpu7x:2x2x1
jax: 0.10.2.dev20260603
libtpu: 0.0.44.dev20260713+nightly
codegen_flags: <defaults>
</compile_context>

<pallas_src>
import functools

import jax
import jax.numpy as jnp
from jax import lax
from jax.experimental import pallas as pl
from jax.experimental.pallas import tpu as pltpu
from jax.experimental.pallas import tpu_sc as plsc

NC = 2
NS = 16
L = 16


def _make_sc_kernel(M, D, B):
    total = M * D
    NCHUNK = 4
    assert D == NCHUNK * NS
    CW = NS * M
    NPASS = NCHUNK // NC
    PW = CW // NS
    assert PW % 8 == 0
    BLK = 4096
    assert B % BLK == 0
    NBLK = B // BLK
    assert NBLK % 2 == 0
    NVEC = BLK // L

    mesh = plsc.VectorSubcoreMesh(core_axis_name="c", subcore_axis_name="s")

    @functools.partial(
        pl.kernel,
        mesh=mesh,
        out_type=jax.ShapeDtypeStruct((total,), jnp.float32),
        compiler_params=pltpu.CompilerParams(use_tc_tiling_on_sc=False),
        scratch_types=[
            pltpu.VMEM_SHARED((CW + 16,), jnp.float32),
            pltpu.VMEM((BLK,), jnp.int32),
            pltpu.VMEM((BLK,), jnp.int32),
            pltpu.VMEM((BLK,), jnp.float32),
            pltpu.VMEM((BLK,), jnp.float32),
            pltpu.VMEM((BLK,), jnp.int32),
            pltpu.VMEM((BLK,), jnp.int32),
            pltpu.SemaphoreType.DMA,
            pltpu.SemaphoreType.DMA,
        ],
    )
    def scatter_add_kernel(xt_hbm, idxt_hbm, srct_hbm, outt_hbm,
                           accum, idx_raw0, idx_raw1, src_buf0, src_buf1,
                           idx_scat0, idx_scat1, sem, lsem):
        idx_raw = (idx_raw0, idx_raw1)
        src_buf = (src_buf0, src_buf1)
        idx_scat = (idx_scat0, idx_scat1)
        c = lax.axis_index("c")
        s = lax.axis_index("s")

        def mkslices(p):
            k = p * NC + c
            colbase = (k * NS + s) * B

            def islice(b):
                return idxt_hbm.at[pl.ds(colbase + b * BLK, BLK)]

            def sslice(b):
                return srct_hbm.at[pl.ds(colbase + b * BLK, BLK)]

            return islice, sslice

        islice0, sslice0 = mkslices(0)
        pltpu.async_copy(islice0(0), idx_raw[0], lsem)
        pltpu.async_copy(sslice0(0), src_buf[0], lsem)

        for p in range(NPASS):
            k = p * NC + c
            base = k * CW
            islice, sslice = mkslices(p)

            pltpu.sync_copy(xt_hbm.at[pl.ds(base + s * PW, PW)],
                            accum.at[pl.ds(s * PW, PW)])
            plsc.subcore_barrier()

            for b in range(NBLK):
                d = b % 2
                pltpu.make_async_copy(islice(b), idx_raw[d], lsem).wait()
                pltpu.make_async_copy(sslice(b), src_buf[d], lsem).wait()

                def vec_body(i, _, d=d):
                    v = idx_raw[d][pl.ds(i * L, L)]
                    idx_scat[d][pl.ds(i * L, L)] = v + s * M
                    return 0

                lax.fori_loop(0, NVEC, vec_body, 0)
                if b >= 1:
                    pltpu.make_async_copy(src_buf[1 - d],
                                          accum.at[idx_scat[1 - d]],
                                          sem).wait()
                if b + 1 < NBLK:
                    pltpu.async_copy(islice(b + 1), idx_raw[1 - d], lsem)
                    pltpu.async_copy(sslice(b + 1), src_buf[1 - d], lsem)
                pltpu.async_copy(src_buf[d], accum.at[idx_scat[d]],
                                 sem, add=True)
            pltpu.make_async_copy(src_buf[(NBLK - 1) % 2],
                                  accum.at[idx_scat[(NBLK - 1) % 2]],
                                  sem).wait()
            if p + 1 < NPASS:
                islice_n, sslice_n = mkslices(p + 1)
                pltpu.async_copy(islice_n(0), idx_raw[0], lsem)
                pltpu.async_copy(sslice_n(0), src_buf[0], lsem)
            plsc.subcore_barrier()

            pltpu.sync_copy(accum.at[pl.ds(s * PW, PW)],
                            outt_hbm.at[pl.ds(base + s * PW, PW)])

    return scatter_add_kernel


def kernel(x, dim, index, src, out):
    M, D = x.shape
    B = src.shape[0]
    del out
    rows = index + jnp.asarray(dim, dtype=index.dtype)
    sc = _make_sc_kernel(M, D, B)
    outt = sc(x.T.reshape(-1), rows.T.reshape(-1), src.T.reshape(-1))
    return outt.reshape(D, M).T

# --- scband reference (transcript-rebuilt; emitter-appended) ---
"""Pipeline reference for scband-torch-ops-aten-scatter-add-out-module-43928925504127 (READ-ONLY COPY).

The authoritative reference and input builder live on the scoring server;
editing this copy changes nothing except your own understanding.
"""

import jax, jax.numpy as jnp
import numpy as np

M, D, B = 100000, 64, 16384


def setup_inputs(seed: int = 0) -> dict:
    key = jax.random.key(seed)
    k1, k2, k3 = jax.random.split(key, 3)
    x = jax.random.normal(k1, (M, D), dtype=jnp.float32)
    src = jax.random.normal(k2, (B, D), dtype=jnp.float32)
    index = jax.random.randint(k3, (B, D), 0, M, dtype=jnp.int32)
    out = jnp.zeros((M, D), dtype=jnp.float32)
    return {"x": x, "dim": 0, "index": index, "src": src, "out": out}


def reference(x, dim, index, src, out):
    # torch.ops.aten.scatter_add.out with dim=0:
    #   out = x.clone(); out[index[i, j], j] += src[i, j]
    # The provided `out` buffer is fully overwritten, so its contents are ignored.
    cols = jnp.broadcast_to(jnp.arange(src.shape[1], dtype=index.dtype), index.shape)
    rows = index + jnp.asarray(dim, dtype=index.dtype)
    res = x.at[rows, cols].add(src)
    return res

if __name__ == "__main__":
    import jax
    _d = setup_inputs()
    print(jax.jit(kernel)(*tuple(_d.values())))

</pallas_src>

<mosaic_0001>
#map = affine_map<(d0, d1) -> (0)>
module attributes {stable_mosaic.version = 14 : i64} {
  func.func @scatter_add_kernel(%arg0: i32, %arg1: i32, %arg2: memref<6400000xf32, #tpu.memory_space<hbm>>, %arg3: memref<1048576xi32, #tpu.memory_space<hbm>>, %arg4: memref<1048576xf32, #tpu.memory_space<hbm>>, %arg5: memref<6400000xf32, #tpu.memory_space<hbm>>, %arg6: memref<1600016xf32, #tpu.memory_space<vmem_shared>>, %arg7: memref<4096xi32, #tpu.memory_space<vmem>>, %arg8: memref<4096xi32, #tpu.memory_space<vmem>>, %arg9: memref<4096xf32, #tpu.memory_space<vmem>>, %arg10: memref<4096xf32, #tpu.memory_space<vmem>>, %arg11: memref<4096xi32, #tpu.memory_space<vmem>>, %arg12: memref<4096xi32, #tpu.memory_space<vmem>>, %arg13: memref<!tpu.dma_semaphore, #tpu.memory_space<semaphore_mem>>, %arg14: memref<!tpu.dma_semaphore, #tpu.memory_space<semaphore_mem>>) attributes {dimension_semantics = [#tpu.dimension_semantics<core_parallel>, #tpu.dimension_semantics<subcore_parallel>], iteration_bounds = array<i64: 2, 16>, scalar_prefetch = 0 : i64, scratch_operands = 9 : i64, tpu.core_type = #tpu.core_type<sc_vector_subcore>, window_params = [{transform_indices = #map}, {transform_indices = #map}, {transform_indices = #map}, {transform_indices = #map}]} {
    %add3A = arith.constant 0 : i32
    %add3A_0 = arith.addi %add3A, %arg0 : i32
    %mul3A = arith.constant 16 : i32
    %mul3A_1 = arith.muli %add3A_0, %mul3A : i32
    %add3A_2 = arith.addi %mul3A_1, %arg1 : i32
    %mul3A_3 = arith.constant 16384 : i32
    %mul3A_4 = arith.muli %add3A_2, %mul3A_3 : i32
    %add3A_5 = arith.constant 0 : i32
    %add3A_6 = arith.addi %mul3A_4, %add3A_5 : i32
    %dma_start3A = tpu.memref_slice %arg3[%add3A_6] : memref<1048576xi32, #tpu.memory_space<hbm>> -> memref<4096xi32, #tpu.memory_space<hbm>>
    %dma_start3A_7 = tpu.memref_slice %arg3[%add3A_6] : memref<1048576xi32, #tpu.memory_space<hbm>> -> memref<4096xi32, #tpu.memory_space<hbm>>
    tpu.enqueue_dma source(%dma_start3A_7 : memref<4096xi32, #tpu.memory_space<hbm>>) target(%arg7 : memref<4096xi32, #tpu.memory_space<vmem>>) target_semaphore(%arg14 : memref<!tpu.dma_semaphore, #tpu.memory_space<semaphore_mem>>)
    %add3A_8 = arith.constant 0 : i32
    %add3A_9 = arith.addi %mul3A_4, %add3A_8 : i32
    %dma_start3A_10 = tpu.memref_slice %arg4[%add3A_9] : memref<1048576xf32, #tpu.memory_space<hbm>> -> memref<4096xf32, #tpu.memory_space<hbm>>
    %dma_start3A_11 = tpu.memref_slice %arg4[%add3A_9] : memref<1048576xf32, #tpu.memory_space<hbm>> -> memref<4096xf32, #tpu.memory_space<hbm>>
    tpu.enqueue_dma source(%dma_start3A_11 : memref<4096xf32, #tpu.memory_space<hbm>>) target(%arg9 : memref<4096xf32, #tpu.memory_space<vmem>>) target_semaphore(%arg14 : memref<!tpu.dma_semaphore, #tpu.memory_space<semaphore_mem>>)
    %add3A_12 = arith.constant 0 : i32
    %add3A_13 = arith.addi %add3A_12, %arg0 : i32
    %mul3A_14 = arith.constant 1600000 : i32
    %mul3A_15 = arith.muli %add3A_13, %mul3A_14 : i32
    %add3A_16 = arith.constant 0 : i32
    %add3A_17 = arith.addi %add3A_16, %arg0 : i32
    %mul3A_18 = arith.constant 16 : i32
    %mul3A_19 = arith.muli %add3A_17, %mul3A_18 : i32
    %add3A_20 = arith.addi %mul3A_19, %arg1 : i32
    %mul3A_21 = arith.constant 16384 : i32
    %mul3A_22 = arith.muli %add3A_20, %mul3A_21 : i32
    %mul3A_23 = arith.constant 100000 : i32
    %mul3A_24 = arith.muli %arg1, %mul3A_23 : i32
    %add3A_25 = arith.addi %mul3A_15, %mul3A_24 : i32
    %mul3A_26 = arith.constant 100000 : i32
    %mul3A_27 = arith.muli %arg1, %mul3A_26 : i32
    "tpu.region"() ({
      %run_scoped3A = tpu.sem_alloc : memref<!tpu.dma_semaphore, #tpu.memory_space<semaphore_mem>>
      %dma_start3A_270 = tpu.memref_slice %arg6[%mul3A_27] : memref<1600016xf32, #tpu.memory_space<vmem_shared>> -> memref<100000xf32, #tpu.memory_space<vmem_shared>>
      %dma_start3A_271 = tpu.memref_slice %arg2[%add3A_25] : memref<6400000xf32, #tpu.memory_space<hbm>> -> memref<100000xf32, #tpu.memory_space<hbm>>
      tpu.enqueue_dma source(%dma_start3A_271 : memref<100000xf32, #tpu.memory_space<hbm>>) target(%dma_start3A_270 : memref<100000xf32, #tpu.memory_space<vmem_shared>>) target_semaphore(%run_scoped3A : memref<!tpu.dma_semaphore, #tpu.memory_space<semaphore_mem>>)
      %dma_wait3A_272 = tpu.memref_slice %arg6[%mul3A_27] : memref<1600016xf32, #tpu.memory_space<vmem_shared>> -> memref<100000xf32, #tpu.memory_space<vmem_shared>>
      %dma_wait3A_273 = tpu.memref_slice %arg2[%add3A_25] : memref<6400000xf32, #tpu.memory_space<hbm>> -> memref<100000xf32, #tpu.memory_space<hbm>>
      tpu.wait_dma2 semaphore(%run_scoped3A : memref<!tpu.dma_semaphore, #tpu.memory_space<semaphore_mem>>) src(%dma_wait3A_273 : memref<100000xf32, #tpu.memory_space<hbm>>) dst(%dma_wait3A_272 : memref<100000xf32, #tpu.memory_space<vmem_shared>>)
      tpu.yield
    }) : () -> ()
    %barrier3A = arith.constant 0 : index
    tpu.barrier barrier_id(%barrier3A)
    %add3A_28 = arith.constant 0 : i32
    %add3A_29 = arith.addi %mul3A_22, %add3A_28 : i32
    %dma_wait3A = tpu.memref_slice %arg3[%add3A_29] : memref<1048576xi32, #tpu.memory_space<hbm>> -> memref<4096xi32, #tpu.memory_space<hbm>>
    %dma_wait3A_30 = tpu.memref_slice %arg3[%add3A_29] : memref<1048576xi32, #tpu.memory_space<hbm>> -> memref<4096xi32, #tpu.memory_space<hbm>>
    tpu.wait_dma2 semaphore(%arg14 : memref<!tpu.dma_semaphore, #tpu.memory_space<semaphore_mem>>) src(%dma_wait3A_30 : memref<4096xi32, #tpu.memory_space<hbm>>) dst(%arg7 : memref<4096xi32, #tpu.memory_space<vmem>>)
    %add3A_31 = arith.constant 0 : i32
    %add3A_32 = arith.addi %mul3A_22, %add3A_31 : i32
    %dma_wait3A_33 = tpu.memref_slice %arg4[%add3A_32] : memref<1048576xf32, #tpu.memory_space<hbm>> -> memref<4096xf32, #tpu.memory_space<hbm>>
    %dma_wait3A_34 = tpu.memref_slice %arg4[%add3A_32] : memref<1048576xf32, #tpu.memory_space<hbm>> -> memref<4096xf32, #tpu.memory_space<hbm>>
    tpu.wait_dma2 semaphore(%arg14 : memref<!tpu.dma_semaphore, #tpu.memory_space<semaphore_mem>>) src(%dma_wait3A_34 : memref<4096xf32, #tpu.memory_space<hbm>>) dst(%arg9 : memref<4096xf32, #tpu.memory_space<vmem>>)
    %scan3A = arith.constant 0 : i32
    %scan3A_35 = arith.constant 0 : i32
    %scan3A_36 = arith.constant 256 : i32
    %scan3A_37 = arith.addi %scan3A_35, %scan3A_36 : i32
    %scan3A_38 = arith.constant 1 : i32
    %scan3A_39 = scf.for %scan3A_270 = %scan3A_35 to %scan3A_37 step %scan3A_38 iter_args(%scan3A_271 = %scan3A) -> (i32)  : i32 {
      %mul3A_272 = arith.constant 16 : i32
      %mul3A_273 = arith.muli %scan3A_270, %mul3A_272 : i32
      %get3A = arith.index_cast %mul3A_273 : i32 to index
      %get3A_274 = tpu.vector_load %arg7[%get3A] {strides = array<i32>} : memref<4096xi32, #tpu.memory_space<vmem>>, vector<16xi32>,
      %get3A_275 = vector.shape_cast %get3A_274 : vector<16xi32> to vector<16xi32>
      %mul3A_276 = arith.constant 100000 : i32
      %mul3A_277 = arith.muli %arg1, %mul3A_276 : i32
      %add3A_278 = vector.broadcast %mul3A_277 : i32 to vector<16xi32>
      %add3A_279 = arith.addi %get3A_275, %add3A_278 : vector<16xi32>
      %mul3A_280 = arith.constant 16 : i32
      %mul3A_281 = arith.muli %scan3A_270, %mul3A_280 : i32
      %swap3A = arith.index_cast %mul3A_281 : i32 to index
      %swap3A_282 = tpu.vector_load %arg11[%swap3A] {strides = array<i32>} : memref<4096xi32, #tpu.memory_space<vmem>>, vector<16xi32>,
      %swap3A_283 = vector.shape_cast %swap3A_282 : vector<16xi32> to vector<16xi32>
      %swap3A_284 = vector.shape_cast %add3A_279 : vector<16xi32> to vector<16xi32>
      tpu.vector_store %arg11[%swap3A], %swap3A_284 {strides = array<i32>} : memref<4096xi32, #tpu.memory_space<vmem>>, vector<16xi32>,
      %scan3A_285 = arith.constant 0 : i32
      scf.yield %scan3A_285 : i32
    }
    %scan3A_40 = arith.constant 256 : i32
    %add3A_41 = arith.constant 4096 : i32
    %add3A_42 = arith.addi %mul3A_22, %add3A_41 : i32
    %dma_start3A_43 = tpu.memref_slice %arg3[%add3A_42] : memref<1048576xi32, #tpu.memory_space<hbm>> -> memref<4096xi32, #tpu.memory_space<hbm>>
    %dma_start3A_44 = tpu.memref_slice %arg3[%add3A_42] : memref<1048576xi32, #tpu.memory_space<hbm>> -> memref<4096xi32, #tpu.memory_space<hbm>>
    tpu.enqueue_dma source(%dma_start3A_44 : memref<4096xi32, #tpu.memory_space<hbm>>) target(%arg8 : memref<4096xi32, #tpu.memory_space<vmem>>) target_semaphore(%arg14 : memref<!tpu.dma_semaphore, #tpu.memory_space<semaphore_mem>>)
    %add3A_45 = arith.constant 4096 : i32
    %add3A_46 = arith.addi %mul3A_22, %add3A_45 : i32
    %dma_start3A_47 = tpu.memref_slice %arg4[%add3A_46] : memref<1048576xf32, #tpu.memory_space<hbm>> -> memref<4096xf32, #tpu.memory_space<hbm>>
    %dma_start3A_48 = tpu.memref_slice %arg4[%add3A_46] : memref<1048576xf32, #tpu.memory_space<hbm>> -> memref<4096xf32, #tpu.memory_space<hbm>>
    tpu.enqueue_dma source(%dma_start3A_48 : memref<4096xf32, #tpu.memory_space<hbm>>) target(%arg10 : memref<4096xf32, #tpu.memory_space<vmem>>) target_semaphore(%arg14 : memref<!tpu.dma_semaphore, #tpu.memory_space<semaphore_mem>>)
    %dma_start3A_49 = arith.constant 0 : i32
    %dma_start3A_50 = tpu.memref_slice %arg6[%dma_start3A_49] : memref<1600016xf32, #tpu.memory_space<vmem_shared>> -> memref<1600016xf32, #tpu.memory_space<vmem_shared>>
    tpu.enqueue_indirect_dma source(%arg9 : memref<4096xf32, #tpu.memory_space<vmem>>) target(%dma_start3A_50 : memref<1600016xf32, #tpu.memory_space<vmem_shared>>) offsets(%arg11 : memref<4096xi32, #tpu.memory_space<vmem>>) semaphore(%arg13 : memref<!tpu.dma_semaphore, #tpu.memory_space<semaphore_mem>>) {add = true}
    %add3A_51 = arith.constant 4096 : i32
    %add3A_52 = arith.addi %mul3A_22, %add3A_51 : i32
    %dma_wait3A_53 = tpu.memref_slice %arg3[%add3A_52] : memref<1048576xi32, #tpu.memory_space<hbm>> -> memref<4096xi32, #tpu.memory_space<hbm>>
    %dma_wait3A_54 = tpu.memref_slice %arg3[%add3A_52] : memref<1048576xi32, #tpu.memory_space<hbm>> -> memref<4096xi32, #tpu.memory_space<hbm>>
    tpu.wait_dma2 semaphore(%arg14 : memref<!tpu.dma_semaphore, #tpu.memory_space<semaphore_mem>>) src(%dma_wait3A_54 : memref<4096xi32, #tpu.memory_space<hbm>>) dst(%arg8 : memref<4096xi32, #tpu.memory_space<vmem>>)
    %add3A_55 = arith.constant 4096 : i32
    %add3A_56 = arith.addi %mul3A_22, %add3A_55 : i32
    %dma_wait3A_57 = tpu.memref_slice %arg4[%add3A_56] : memref<1048576xf32, #tpu.memory_space<hbm>> -> memref<4096xf32, #tpu.memory_space<hbm>>
    %dma_wait3A_58 = tpu.memref_slice %arg4[%add3A_56] : memref<1048576xf32, #tpu.memory_space<hbm>> -> memref<4096xf32, #tpu.memory_space<hbm>>
    tpu.wait_dma2 semaphore(%arg14 : memref<!tpu.dma_semaphore, #tpu.memory_space<semaphore_mem>>) src(%dma_wait3A_58 : memref<4096xf32, #tpu.memory_space<hbm>>) dst(%arg10 : memref<4096xf32, #tpu.memory_space<vmem>>)
    %scan3A_59 = arith.constant 0 : i32
    %scan3A_60 = arith.constant 0 : i32
    %scan3A_61 = arith.constant 256 : i32
    %scan3A_62 = arith.addi %scan3A_60, %scan3A_61 : i32
    %scan3A_63 = arith.constant 1 : i32
    %scan3A_64 = scf.for %scan3A_270 = %scan3A_60 to %scan3A_62 step %scan3A_63 iter_args(%scan3A_271 = %scan3A_59) -> (i32)  : i32 {
      %mul3A_272 = arith.constant 16 : i32
      %mul3A_273 = arith.muli %scan3A_270, %mul3A_272 : i32
      %get3A = arith.index_cast %mul3A_273 : i32 to index
      %get3A_274 = tpu.vector_load %arg8[%get3A] {strides = array<i32>} : memref<4096xi32, #tpu.memory_space<vmem>>, vector<16xi32>,
      %get3A_275 = vector.shape_cast %get3A_274 : vector<16xi32> to vector<16xi32>
      %mul3A_276 = arith.constant 100000 : i32
      %mul3A_277 = arith.muli %arg1, %mul3A_276 : i32
      %add3A_278 = vector.broadcast %mul3A_277 : i32 to vector<16xi32>
      %add3A_279 = arith.addi %get3A_275, %add3A_278 : vector<16xi32>
      %mul3A_280 = arith.constant 16 : i32
      %mul3A_281 = arith.muli %scan3A_270, %mul3A_280 : i32
      %swap3A = arith.index_cast %mul3A_281 : i32 to index
      %swap3A_282 = tpu.vector_load %arg12[%swap3A] {strides = array<i32>} : memref<4096xi32, #tpu.memory_space<vmem>>, vector<16xi32>,
      %swap3A_283 = vector.shape_cast %swap3A_282 : vector<16xi32> to vector<16xi32>
      %swap3A_284 = vector.shape_cast %add3A_279 : vector<16xi32> to vector<16xi32>
      tpu.vector_store %arg12[%swap3A], %swap3A_284 {strides = array<i32>} : memref<4096xi32, #tpu.memory_space<vmem>>, vector<16xi32>,
      %scan3A_285 = arith.constant 0 : i32
      scf.yield %scan3A_285 : i32
    }
    %scan3A_65 = arith.constant 256 : i32
    %dma_wait3A_66 = arith.constant 0 : i32
    %dma_wait3A_67 = tpu.memref_slice %arg6[%dma_wait3A_66] : memref<1600016xf32, #tpu.memory_space<vmem_shared>> -> memref<1600016xf32, #tpu.memory_space<vmem_shared>>
    tpu.wait_indirect_dma semaphore(%arg13 : memref<!tpu.dma_semaphore, #tpu.memory_space<semaphore_mem>>) src(%arg9 : memref<4096xf32, #tpu.memory_space<vmem>>) dst(%dma_wait3A_67 : memref<1600016xf32, #tpu.memory_space<vmem_shared>>)
    %add3A_68 = arith.constant 8192 : i32
    %add3A_69 = arith.addi %mul3A_22, %add3A_68 : i32
    %dma_start3A_70 = tpu.memref_slice %arg3[%add3A_69] : memref<1048576xi32, #tpu.memory_space<hbm>> -> memref<4096xi32, #tpu.memory_space<hbm>>
    %dma_start3A_71 = tpu.memref_slice %arg3[%add3A_69] : memref<1048576xi32, #tpu.memory_space<hbm>> -> memref<4096xi32, #tpu.memory_space<hbm>>
    tpu.enqueue_dma source(%dma_start3A_71 : memref<4096xi32, #tpu.memory_space<hbm>>) target(%arg7 : memref<4096xi32, #tpu.memory_space<vmem>>) target_semaphore(%arg14 : memref<!tpu.dma_semaphore, #tpu.memory_space<semaphore_mem>>)
    %add3A_72 = arith.constant 8192 : i32
    %add3A_73 = arith.addi %mul3A_22, %add3A_72 : i32
    %dma_start3A_74 = tpu.memref_slice %arg4[%add3A_73] : memref<1048576xf32, #tpu.memory_space<hbm>> -> memref<4096xf32, #tpu.memory_space<hbm>>
    %dma_start3A_75 = tpu.memref_slice %arg4[%add3A_73] : memref<1048576xf32, #tpu.memory_space<hbm>> -> memref<4096xf32, #tpu.memory_space<hbm>>
    tpu.enqueue_dma source(%dma_start3A_75 : memref<4096xf32, #tpu.memory_space<hbm>>) target(%arg9 : memref<4096xf32, #tpu.memory_space<vmem>>) target_semaphore(%arg14 : memref<!tpu.dma_semaphore, #tpu.memory_space<semaphore_mem>>)
    %dma_start3A_76 = arith.constant 0 : i32
    %dma_start3A_77 = tpu.memref_slice %arg6[%dma_start3A_76] : memref<1600016xf32, #tpu.memory_space<vmem_shared>> -> memref<1600016xf32, #tpu.memory_space<vmem_shared>>
    tpu.enqueue_indirect_dma source(%arg10 : memref<4096xf32, #tpu.memory_space<vmem>>) target(%dma_start3A_77 : memref<1600016xf32, #tpu.memory_space<vmem_shared>>) offsets(%arg12 : memref<4096xi32, #tpu.memory_space<vmem>>) semaphore(%arg13 : memref<!tpu.dma_semaphore, #tpu.memory_space<semaphore_mem>>) {add = true}
    %add3A_78 = arith.constant 8192 : i32
    %add3A_79 = arith.addi %mul3A_22, %add3A_78 : i32
    %dma_wait3A_80 = tpu.memref_slice %arg3[%add3A_79] : memref<1048576xi32, #tpu.memory_space<hbm>> -> memref<4096xi32, #tpu.memory_space<hbm>>
    %dma_wait3A_81 = tpu.memref_slice %arg3[%add3A_79] : memref<1048576xi32, #tpu.memory_space<hbm>> -> memref<4096xi32, #tpu.memory_space<hbm>>
    tpu.wait_dma2 semaphore(%arg14 : memref<!tpu.dma_semaphore, #tpu.memory_space<semaphore_mem>>) src(%dma_wait3A_81 : memref<4096xi32, #tpu.memory_space<hbm>>) dst(%arg7 : memref<4096xi32, #tpu.memory_space<vmem>>)
    %add3A_82 = arith.constant 8192 : i32
    %add3A_83 = arith.addi %mul3A_22, %add3A_82 : i32
    %dma_wait3A_84 = tpu.memref_slice %arg4[%add3A_83] : memref<1048576xf32, #tpu.memory_space<hbm>> -> memref<4096xf32, #tpu.memory_space<hbm>>
    %dma_wait3A_85 = tpu.memref_slice %arg4[%add3A_83] : memref<1048576xf32, #tpu.memory_space<hbm>> -> memref<4096xf32, #tpu.memory_space<hbm>>
    tpu.wait_dma2 semaphore(%arg14 : memref<!tpu.dma_semaphore, #tpu.memory_space<semaphore_mem>>) src(%dma_wait3A_85 : memref<4096xf32, #tpu.memory_space<hbm>>) dst(%arg9 : memref<4096xf32, #tpu.memory_space<vmem>>)
    %scan3A_86 = arith.constant 0 : i32
    %scan3A_87 = arith.constant 0 : i32
    %scan3A_88 = arith.constant 256 : i32
    %scan3A_89 = arith.addi %scan3A_87, %scan3A_88 : i32
    %scan3A_90 = arith.constant 1 : i32
    %scan3A_91 = scf.for %scan3A_270 = %scan3A_87 to %scan3A_89 step %scan3A_90 iter_args(%scan3A_271 = %scan3A_86) -> (i32)  : i32 {
      %mul3A_272 = arith.constant 16 : i32
      %mul3A_273 = arith.muli %scan3A_270, %mul3A_272 : i32
      %get3A = arith.index_cast %mul3A_273 : i32 to index
      %get3A_274 = tpu.vector_load %arg7[%get3A] {strides = array<i32>} : memref<4096xi32, #tpu.memory_space<vmem>>, vector<16xi32>,
      %get3A_275 = vector.shape_cast %get3A_274 : vector<16xi32> to vector<16xi32>
      %mul3A_276 = arith.constant 100000 : i32
      %mul3A_277 = arith.muli %arg1, %mul3A_276 : i32
      %add3A_278 = vector.broadcast %mul3A_277 : i32 to vector<16xi32>
      %add3A_279 = arith.addi %get3A_275, %add3A_278 : vector<16xi32>
      %mul3A_280 = arith.constant 16 : i32
      %mul3A_281 = arith.muli %scan3A_270, %mul3A_280 : i32
      %swap3A = arith.index_cast %mul3A_281 : i32 to index
      %swap3A_282 = tpu.vector_load %arg11[%swap3A] {strides = array<i32>} : memref<4096xi32, #tpu.memory_space<vmem>>, vector<16xi32>,
      %swap3A_283 = vector.shape_cast %swap3A_282 : vector<16xi32> to vector<16xi32>
      %swap3A_284 = vector.shape_cast %add3A_279 : vector<16xi32> to vector<16xi32>
      tpu.vector_store %arg11[%swap3A], %swap3A_284 {strides = array<i32>} : memref<4096xi32, #tpu.memory_space<vmem>>, vector<16xi32>,
      %scan3A_285 = arith.constant 0 : i32
      scf.yield %scan3A_285 : i32
    }
    %scan3A_92 = arith.constant 256 : i32
    %dma_wait3A_93 = arith.constant 0 : i32
    %dma_wait3A_94 = tpu.memref_slice %arg6[%dma_wait3A_93] : memref<1600016xf32, #tpu.memory_space<vmem_shared>> -> memref<1600016xf32, #tpu.memory_space<vmem_shared>>
    tpu.wait_indirect_dma semaphore(%arg13 : memref<!tpu.dma_semaphore, #tpu.memory_space<semaphore_mem>>) src(%arg10 : memref<4096xf32, #tpu.memory_space<vmem>>) dst(%dma_wait3A_94 : memref<1600016xf32, #tpu.memory_space<vmem_shared>>)
    %add3A_95 = arith.constant 12288 : i32
    %add3A_96 = arith.addi %mul3A_22, %add3A_95 : i32
    %dma_start3A_97 = tpu.memref_slice %arg3[%add3A_96] : memref<1048576xi32, #tpu.memory_space<hbm>> -> memref<4096xi32, #tpu.memory_space<hbm>>
    %dma_start3A_98 = tpu.memref_slice %arg3[%add3A_96] : memref<1048576xi32, #tpu.memory_space<hbm>> -> memref<4096xi32, #tpu.memory_space<hbm>>
    tpu.enqueue_dma source(%dma_start3A_98 : memref<4096xi32, #tpu.memory_space<hbm>>) target(%arg8 : memref<4096xi32, #tpu.memory_space<vmem>>) target_semaphore(%arg14 : memref<!tpu.dma_semaphore, #tpu.memory_space<semaphore_mem>>)
    %add3A_99 = arith.constant 12288 : i32
    %add3A_100 = arith.addi %mul3A_22, %add3A_99 : i32
    %dma_start3A_101 = tpu.memref_slice %arg4[%add3A_100] : memref<1048576xf32, #tpu.memory_space<hbm>> -> memref<4096xf32, #tpu.memory_space<hbm>>
    %dma_start3A_102 = tpu.memref_slice %arg4[%add3A_100] : memref<1048576xf32, #tpu.memory_space<hbm>> -> memref<4096xf32, #tpu.memory_space<hbm>>
    tpu.enqueue_dma source(%dma_start3A_102 : memref<4096xf32, #tpu.memory_space<hbm>>) target(%arg10 : memref<4096xf32, #tpu.memory_space<vmem>>) target_semaphore(%arg14 : memref<!tpu.dma_semaphore, #tpu.memory_space<semaphore_mem>>)
    %dma_start3A_103 = arith.constant 0 : i32
    %dma_start3A_104 = tpu.memref_slice %arg6[%dma_start3A_103] : memref<1600016xf32, #tpu.memory_space<vmem_shared>> -> memref<1600016xf32, #tpu.memory_space<vmem_shared>>
    tpu.enqueue_indirect_dma source(%arg9 : memref<4096xf32, #tpu.memory_space<vmem>>) target(%dma_start3A_104 : memref<1600016xf32, #tpu.memory_space<vmem_shared>>) offsets(%arg11 : memref<4096xi32, #tpu.memory_space<vmem>>) semaphore(%arg13 : memref<!tpu.dma_semaphore, #tpu.memory_space<semaphore_mem>>) {add = true}
    %add3A_105 = arith.constant 12288 : i32
    %add3A_106 = arith.addi %mul3A_22, %add3A_105 : i32
    %dma_wait3A_107 = tpu.memref_slice %arg3[%add3A_106] : memref<1048576xi32, #tpu.memory_space<hbm>> -> memref<4096xi32, #tpu.memory_space<hbm>>
    %dma_wait3A_108 = tpu.memref_slice %arg3[%add3A_106] : memref<1048576xi32, #tpu.memory_space<hbm>> -> memref<4096xi32, #tpu.memory_space<hbm>>
    tpu.wait_dma2 semaphore(%arg14 : memref<!tpu.dma_semaphore, #tpu.memory_space<semaphore_mem>>) src(%dma_wait3A_108 : memref<4096xi32, #tpu.memory_space<hbm>>) dst(%arg8 : memref<4096xi32, #tpu.memory_space<vmem>>)
    %add3A_109 = arith.constant 12288 : i32
    %add3A_110 = arith.addi %mul3A_22, %add3A_109 : i32
    %dma_wait3A_111 = tpu.memref_slice %arg4[%add3A_110] : memref<1048576xf32, #tpu.memory_space<hbm>> -> memref<4096xf32, #tpu.memory_space<hbm>>
    %dma_wait3A_112 = tpu.memref_slice %arg4[%add3A_110] : memref<1048576xf32, #tpu.memory_space<hbm>> -> memref<4096xf32, #tpu.memory_space<hbm>>
    tpu.wait_dma2 semaphore(%arg14 : memref<!tpu.dma_semaphore, #tpu.memory_space<semaphore_mem>>) src(%dma_wait3A_112 : memref<4096xf32, #tpu.memory_space<hbm>>) dst(%arg10 : memref<4096xf32, #tpu.memory_space<vmem>>)
    %scan3A_113 = arith.constant 0 : i32
    %scan3A_114 = arith.constant 0 : i32
    %scan3A_115 = arith.constant 256 : i32
    %scan3A_116 = arith.addi %scan3A_114, %scan3A_115 : i32
    %scan3A_117 = arith.constant 1 : i32
    %scan3A_118 = scf.for %scan3A_270 = %scan3A_114 to %scan3A_116 step %scan3A_117 iter_args(%scan3A_271 = %scan3A_113) -> (i32)  : i32 {
      %mul3A_272 = arith.constant 16 : i32
      %mul3A_273 = arith.muli %scan3A_270, %mul3A_272 : i32
      %get3A = arith.index_cast %mul3A_273 : i32 to index
      %get3A_274 = tpu.vector_load %arg8[%get3A] {strides = array<i32>} : memref<4096xi32, #tpu.memory_space<vmem>>, vector<16xi32>,
      %get3A_275 = vector.shape_cast %get3A_274 : vector<16xi32> to vector<16xi32>
      %mul3A_276 = arith.constant 100000 : i32
      %mul3A_277 = arith.muli %arg1, %mul3A_276 : i32
      %add3A_278 = vector.broadcast %mul3A_277 : i32 to vector<16xi32>
      %add3A_279 = arith.addi %get3A_275, %add3A_278 : vector<16xi32>
      %mul3A_280 = arith.constant 16 : i32
      %mul3A_281 = arith.muli %scan3A_270, %mul3A_280 : i32
      %swap3A = arith.index_cast %mul3A_281 : i32 to index
      %swap3A_282 = tpu.vector_load %arg12[%swap3A] {strides = array<i32>} : memref<4096xi32, #tpu.memory_space<vmem>>, vector<16xi32>,
      %swap3A_283 = vector.shape_cast %swap3A_282 : vector<16xi32> to vector<16xi32>
      %swap3A_284 = vector.shape_cast %add3A_279 : vector<16xi32> to vector<16xi32>
      tpu.vector_store %arg12[%swap3A], %swap3A_284 {strides = array<i32>} : memref<4096xi32, #tpu.memory_space<vmem>>, vector<16xi32>,
      %scan3A_285 = arith.constant 0 : i32
      scf.yield %scan3A_285 : i32
    }
    %scan3A_119 = arith.constant 256 : i32
    %dma_wait3A_120 = arith.constant 0 : i32
    %dma_wait3A_121 = tpu.memref_slice %arg6[%dma_wait3A_120] : memref<1600016xf32, #tpu.memory_space<vmem_shared>> -> memref<1600016xf32, #tpu.memory_space<vmem_shared>>
    tpu.wait_indirect_dma semaphore(%arg13 : memref<!tpu.dma_semaphore, #tpu.memory_space<semaphore_mem>>) src(%arg9 : memref<4096xf32, #tpu.memory_space<vmem>>) dst(%dma_wait3A_121 : memref<1600016xf32, #tpu.memory_space<vmem_shared>>)
    %dma_start3A_122 = arith.constant 0 : i32
    %dma_start3A_123 = tpu.memref_slice %arg6[%dma_start3A_122] : memref<1600016xf32, #tpu.memory_space<vmem_shared>> -> memref<1600016xf32, #tpu.memory_space<vmem_shared>>
    tpu.enqueue_indirect_dma source(%arg10 : memref<4096xf32, #tpu.memory_space<vmem>>) target(%dma_start3A_123 : memref<1600016xf32, #tpu.memory_space<vmem_shared>>) offsets(%arg12 : memref<4096xi32, #tpu.memory_space<vmem>>) semaphore(%arg13 : memref<!tpu.dma_semaphore, #tpu.memory_space<semaphore_mem>>) {add = true}
    %dma_wait3A_124 = arith.constant 0 : i32
    %dma_wait3A_125 = tpu.memref_slice %arg6[%dma_wait3A_124] : memref<1600016xf32, #tpu.memory_space<vmem_shared>> -> memref<1600016xf32, #tpu.memory_space<vmem_shared>>
    tpu.wait_indirect_dma semaphore(%arg13 : memref<!tpu.dma_semaphore, #tpu.memory_space<semaphore_mem>>) src(%arg10 : memref<4096xf32, #tpu.memory_space<vmem>>) dst(%dma_wait3A_125 : memref<1600016xf32, #tpu.memory_space<vmem_shared>>)
    %add3A_126 = arith.constant 2 : i32
    %add3A_127 = arith.addi %add3A_126, %arg0 : i32
    %mul3A_128 = arith.constant 16 : i32
    %mul3A_129 = arith.muli %add3A_127, %mul3A_128 : i32
    %add3A_130 = arith.addi %mul3A_129, %arg1 : i32
    %mul3A_131 = arith.constant 16384 : i32
    %mul3A_132 = arith.muli %add3A_130, %mul3A_131 : i32
    %add3A_133 = arith.constant 0 : i32
    %add3A_134 = arith.addi %mul3A_132, %add3A_133 : i32
    %dma_start3A_135 = tpu.memref_slice %arg3[%add3A_134] : memref<1048576xi32, #tpu.memory_space<hbm>> -> memref<4096xi32, #tpu.memory_space<hbm>>
    %dma_start3A_136 = tpu.memref_slice %arg3[%add3A_134] : memref<1048576xi32, #tpu.memory_space<hbm>> -> memref<4096xi32, #tpu.memory_space<hbm>>
    tpu.enqueue_dma source(%dma_start3A_136 : memref<4096xi32, #tpu.memory_space<hbm>>) target(%arg7 : memref<4096xi32, #tpu.memory_space<vmem>>) target_semaphore(%arg14 : memref<!tpu.dma_semaphore, #tpu.memory_space<semaphore_mem>>)
    %add3A_137 = arith.constant 0 : i32
    %add3A_138 = arith.addi %mul3A_132, %add3A_137 : i32
    %dma_start3A_139 = tpu.memref_slice %arg4[%add3A_138] : memref<1048576xf32, #tpu.memory_space<hbm>> -> memref<4096xf32, #tpu.memory_space<hbm>>
    %dma_start3A_140 = tpu.memref_slice %arg4[%add3A_138] : memref<1048576xf32, #tpu.memory_space<hbm>> -> memref<4096xf32, #tpu.memory_space<hbm>>
    tpu.enqueue_dma source(%dma_start3A_140 : memref<4096xf32, #tpu.memory_space<hbm>>) target(%arg9 : memref<4096xf32, #tpu.memory_space<vmem>>) target_semaphore(%arg14 : memref<!tpu.dma_semaphore, #tpu.memory_space<semaphore_mem>>)
    %barrier3A_141 = arith.constant 0 : index
    tpu.barrier barrier_id(%barrier3A_141)
    %mul3A_142 = arith.constant 100000 : i32
    %mul3A_143 = arith.muli %arg1, %mul3A_142 : i32
    %mul3A_144 = arith.constant 100000 : i32
    %mul3A_145 = arith.muli %arg1, %mul3A_144 : i32
    %add3A_146 = arith.addi %mul3A_15, %mul3A_145 : i32
    "tpu.region"() ({
      %run_scoped3A = tpu.sem_alloc : memref<!tpu.dma_semaphore, #tpu.memory_space<semaphore_mem>>
      %dma_start3A_270 = tpu.memref_slice %arg5[%add3A_146] : memref<6400000xf32, #tpu.memory_space<hbm>> -> memref<100000xf32, #tpu.memory_space<hbm>>
      %dma_start3A_271 = tpu.memref_slice %arg6[%mul3A_143] : memref<1600016xf32, #tpu.memory_space<vmem_shared>> -> memref<100000xf32, #tpu.memory_space<vmem_shared>>
      tpu.enqueue_dma source(%dma_start3A_271 : memref<100000xf32, #tpu.memory_space<vmem_shared>>) target(%dma_start3A_270 : memref<100000xf32, #tpu.memory_space<hbm>>) target_semaphore(%run_scoped3A : memref<!tpu.dma_semaphore, #tpu.memory_space<semaphore_mem>>)
      %dma_wait3A_272 = tpu.memref_slice %arg5[%add3A_146] : memref<6400000xf32, #tpu.memory_space<hbm>> -> memref<100000xf32, #tpu.memory_space<hbm>>
      %dma_wait3A_273 = tpu.memref_slice %arg6[%mul3A_143] : memref<1600016xf32, #tpu.memory_space<vmem_shared>> -> memref<100000xf32, #tpu.memory_space<vmem_shared>>
      tpu.wait_dma2 semaphore(%run_scoped3A : memref<!tpu.dma_semaphore, #tpu.memory_space<semaphore_mem>>) src(%dma_wait3A_273 : memref<100000xf32, #tpu.memory_space<vmem_shared>>) dst(%dma_wait3A_272 : memref<100000xf32, #tpu.memory_space<hbm>>)
      tpu.yield
    }) : () -> ()
    %add3A_147 = arith.constant 2 : i32
    %add3A_148 = arith.addi %add3A_147, %arg0 : i32
    %mul3A_149 = arith.constant 1600000 : i32
    %mul3A_150 = arith.muli %add3A_148, %mul3A_149 : i32
    %add3A_151 = arith.constant 2 : i32
    %add3A_152 = arith.addi %add3A_151, %arg0 : i32
    %mul3A_153 = arith.constant 16 : i32
    %mul3A_154 = arith.muli %add3A_152, %mul3A_153 : i32
    %add3A_155 = arith.addi %mul3A_154, %arg1 : i32
    %mul3A_156 = arith.constant 16384 : i32
    %mul3A_157 = arith.muli %add3A_155, %mul3A_156 : i32
    %mul3A_158 = arith.constant 100000 : i32
    %mul3A_159 = arith.muli %arg1, %mul3A_158 : i32
    %add3A_160 = arith.addi %mul3A_150, %mul3A_159 : i32
    %mul3A_161 = arith.constant 100000 : i32
    %mul3A_162 = arith.muli %arg1, %mul3A_161 : i32
    "tpu.region"() ({
      %run_scoped3A = tpu.sem_alloc : memref<!tpu.dma_semaphore, #tpu.memory_space<semaphore_mem>>
      %dma_start3A_270 = tpu.memref_slice %arg6[%mul3A_162] : memref<1600016xf32, #tpu.memory_space<vmem_shared>> -> memref<100000xf32, #tpu.memory_space<vmem_shared>>
      %dma_start3A_271 = tpu.memref_slice %arg2[%add3A_160] : memref<6400000xf32, #tpu.memory_space<hbm>> -> memref<100000xf32, #tpu.memory_space<hbm>>
      tpu.enqueue_dma source(%dma_start3A_271 : memref<100000xf32, #tpu.memory_space<hbm>>) target(%dma_start3A_270 : memref<100000xf32, #tpu.memory_space<vmem_shared>>) target_semaphore(%run_scoped3A : memref<!tpu.dma_semaphore, #tpu.memory_space<semaphore_mem>>)
      %dma_wait3A_272 = tpu.memref_slice %arg6[%mul3A_162] : memref<1600016xf32, #tpu.memory_space<vmem_shared>> -> memref<100000xf32, #tpu.memory_space<vmem_shared>>
      %dma_wait3A_273 = tpu.memref_slice %arg2[%add3A_160] : memref<6400000xf32, #tpu.memory_space<hbm>> -> memref<100000xf32, #tpu.memory_space<hbm>>
      tpu.wait_dma2 semaphore(%run_scoped3A : memref<!tpu.dma_semaphore, #tpu.memory_space<semaphore_mem>>) src(%dma_wait3A_273 : memref<100000xf32, #tpu.memory_space<hbm>>) dst(%dma_wait3A_272 : memref<100000xf32, #tpu.memory_space<vmem_shared>>)
      tpu.yield
    }) : () -> ()
    %barrier3A_163 = arith.constant 0 : index
    tpu.barrier barrier_id(%barrier3A_163)
    %add3A_164 = arith.constant 0 : i32
    %add3A_165 = arith.addi %mul3A_157, %add3A_164 : i32
    %dma_wait3A_166 = tpu.memref_slice %arg3[%add3A_165] : memref<1048576xi32, #tpu.memory_space<hbm>> -> memref<4096xi32, #tpu.memory_space<hbm>>
    %dma_wait3A_167 = tpu.memref_slice %arg3[%add3A_165] : memref<1048576xi32, #tpu.memory_space<hbm>> -> memref<4096xi32, #tpu.memory_space<hbm>>
    tpu.wait_dma2 semaphore(%arg14 : memref<!tpu.dma_semaphore, #tpu.memory_space<semaphore_mem>>) src(%dma_wait3A_167 : memref<4096xi32, #tpu.memory_space<hbm>>) dst(%arg7 : memref<4096xi32, #tpu.memory_space<vmem>>)
    %add3A_168 = arith.constant 0 : i32
    %add3A_169 = arith.addi %mul3A_157, %add3A_168 : i32
    %dma_wait3A_170 = tpu.memref_slice %arg4[%add3A_169] : memref<1048576xf32, #tpu.memory_space<hbm>> -> memref<4096xf32, #tpu.memory_space<hbm>>
    %dma_wait3A_171 = tpu.memref_slice %arg4[%add3A_169] : memref<1048576xf32, #tpu.memory_space<hbm>> -> memref<4096xf32, #tpu.memory_space<hbm>>
    tpu.wait_dma2 semaphore(%arg14 : memref<!tpu.dma_semaphore, #tpu.memory_space<semaphore_mem>>) src(%dma_wait3A_171 : memref<4096xf32, #tpu.memory_space<hbm>>) dst(%arg9 : memref<4096xf32, #tpu.memory_space<vmem>>)
    %scan3A_172 = arith.constant 0 : i32
    %scan3A_173 = arith.constant 0 : i32
    %scan3A_174 = arith.constant 256 : i32
    %scan3A_175 = arith.addi %scan3A_173, %scan3A_174 : i32
    %scan3A_176 = arith.constant 1 : i32
    %scan3A_177 = scf.for %scan3A_270 = %scan3A_173 to %scan3A_175 step %scan3A_176 iter_args(%scan3A_271 = %scan3A_172) -> (i32)  : i32 {
      %mul3A_272 = arith.constant 16 : i32
      %mul3A_273 = arith.muli %scan3A_270, %mul3A_272 : i32
      %get3A = arith.index_cast %mul3A_273 : i32 to index
      %get3A_274 = tpu.vector_load %arg7[%get3A] {strides = array<i32>} : memref<4096xi32, #tpu.memory_space<vmem>>, vector<16xi32>,
      %get3A_275 = vector.shape_cast %get3A_274 : vector<16xi32> to vector<16xi32>
      %mul3A_276 = arith.constant 100000 : i32
      %mul3A_277 = arith.muli %arg1, %mul3A_276 : i32
      %add3A_278 = vector.broadcast %mul3A_277 : i32 to vector<16xi32>
      %add3A_279 = arith.addi %get3A_275, %add3A_278 : vector<16xi32>
      %mul3A_280 = arith.constant 16 : i32
      %mul3A_281 = arith.muli %scan3A_270, %mul3A_280 : i32
      %swap3A = arith.index_cast %mul3A_281 : i32 to index
      %swap3A_282 = tpu.vector_load %arg11[%swap3A] {strides = array<i32>} : memref<4096xi32, #tpu.memory_space<vmem>>, vector<16xi32>,
      %swap3A_283 = vector.shape_cast %swap3A_282 : vector<16xi32> to vector<16xi32>
      %swap3A_284 = vector.shape_cast %add3A_279 : vector<16xi32> to vector<16xi32>
      tpu.vector_store %arg11[%swap3A], %swap3A_284 {strides = array<i32>} : memref<4096xi32, #tpu.memory_space<vmem>>, vector<16xi32>,
      %scan3A_285 = arith.constant 0 : i32
      scf.yield %scan3A_285 : i32
    }
    %scan3A_178 = arith.constant 256 : i32
    %add3A_179 = arith.constant 4096 : i32
    %add3A_180 = arith.addi %mul3A_157, %add3A_179 : i32
    %dma_start3A_181 = tpu.memref_slice %arg3[%add3A_180] : memref<1048576xi32, #tpu.memory_space<hbm>> -> memref<4096xi32, #tpu.memory_space<hbm>>
    %dma_start3A_182 = tpu.memref_slice %arg3[%add3A_180] : memref<1048576xi32, #tpu.memory_space<hbm>> -> memref<4096xi32, #tpu.memory_space<hbm>>
    tpu.enqueue_dma source(%dma_start3A_182 : memref<4096xi32, #tpu.memory_space<hbm>>) target(%arg8 : memref<4096xi32, #tpu.memory_space<vmem>>) target_semaphore(%arg14 : memref<!tpu.dma_semaphore, #tpu.memory_space<semaphore_mem>>)
    %add3A_183 = arith.constant 4096 : i32
    %add3A_184 = arith.addi %mul3A_157, %add3A_183 : i32
    %dma_start3A_185 = tpu.memref_slice %arg4[%add3A_184] : memref<1048576xf32, #tpu.memory_space<hbm>> -> memref<4096xf32, #tpu.memory_space<hbm>>
    %dma_start3A_186 = tpu.memref_slice %arg4[%add3A_184] : memref<1048576xf32, #tpu.memory_space<hbm>> -> memref<4096xf32, #tpu.memory_space<hbm>>
    tpu.enqueue_dma source(%dma_start3A_186 : memref<4096xf32, #tpu.memory_space<hbm>>) target(%arg10 : memref<4096xf32, #tpu.memory_space<vmem>>) target_semaphore(%arg14 : memref<!tpu.dma_semaphore, #tpu.memory_space<semaphore_mem>>)
    %dma_start3A_187 = arith.constant 0 : i32
    %dma_start3A_188 = tpu.memref_slice %arg6[%dma_start3A_187] : memref<1600016xf32, #tpu.memory_space<vmem_shared>> -> memref<1600016xf32, #tpu.memory_space<vmem_shared>>
    tpu.enqueue_indirect_dma source(%arg9 : memref<4096xf32, #tpu.memory_space<vmem>>) target(%dma_start3A_188 : memref<1600016xf32, #tpu.memory_space<vmem_shared>>) offsets(%arg11 : memref<4096xi32, #tpu.memory_space<vmem>>) semaphore(%arg13 : memref<!tpu.dma_semaphore, #tpu.memory_space<semaphore_mem>>) {add = true}
    %add3A_189 = arith.constant 4096 : i32
    %add3A_190 = arith.addi %mul3A_157, %add3A_189 : i32
    %dma_wait3A_191 = tpu.memref_slice %arg3[%add3A_190] : memref<1048576xi32, #tpu.memory_space<hbm>> -> memref<4096xi32, #tpu.memory_space<hbm>>
    %dma_wait3A_192 = tpu.memref_slice %arg3[%add3A_190] : memref<1048576xi32, #tpu.memory_space<hbm>> -> memref<4096xi32, #tpu.memory_space<hbm>>
    tpu.wait_dma2 semaphore(%arg14 : memref<!tpu.dma_semaphore, #tpu.memory_space<semaphore_mem>>) src(%dma_wait3A_192 : memref<4096xi32, #tpu.memory_space<hbm>>) dst(%arg8 : memref<4096xi32, #tpu.memory_space<vmem>>)
    %add3A_193 = arith.constant 4096 : i32
    %add3A_194 = arith.addi %mul3A_157, %add3A_193 : i32
    %dma_wait3A_195 = tpu.memref_slice %arg4[%add3A_194] : memref<1048576xf32, #tpu.memory_space<hbm>> -> memref<4096xf32, #tpu.memory_space<hbm>>
    %dma_wait3A_196 = tpu.memref_slice %arg4[%add3A_194] : memref<1048576xf32, #tpu.memory_space<hbm>> -> memref<4096xf32, #tpu.memory_space<hbm>>
    tpu.wait_dma2 semaphore(%arg14 : memref<!tpu.dma_semaphore, #tpu.memory_space<semaphore_mem>>) src(%dma_wait3A_196 : memref<4096xf32, #tpu.memory_space<hbm>>) dst(%arg10 : memref<4096xf32, #tpu.memory_space<vmem>>)
    %scan3A_197 = arith.constant 0 : i32
    %scan3A_198 = arith.constant 0 : i32
    %scan3A_199 = arith.constant 256 : i32
    %scan3A_200 = arith.addi %scan3A_198, %scan3A_199 : i32
    %scan3A_201 = arith.constant 1 : i32
    %scan3A_202 = scf.for %scan3A_270 = %scan3A_198 to %scan3A_200 step %scan3A_201 iter_args(%scan3A_271 = %scan3A_197) -> (i32)  : i32 {
      %mul3A_272 = arith.constant 16 : i32
      %mul3A_273 = arith.muli %scan3A_270, %mul3A_272 : i32
      %get3A = arith.index_cast %mul3A_273 : i32 to index
      %get3A_274 = tpu.vector_load %arg8[%get3A] {strides = array<i32>} : memref<4096xi32, #tpu.memory_space<vmem>>, vector<16xi32>,
      %get3A_275 = vector.shape_cast %get3A_274 : vector<16xi32> to vector<16xi32>
      %mul3A_276 = arith.constant 100000 : i32
      %mul3A_277 = arith.muli %arg1, %mul3A_276 : i32
      %add3A_278 = vector.broadcast %mul3A_277 : i32 to vector<16xi32>
      %add3A_279 = arith.addi %get3A_275, %add3A_278 : vector<16xi32>
      %mul3A_280 = arith.constant 16 : i32
      %mul3A_281 = arith.muli %scan3A_270, %mul3A_280 : i32
      %swap3A = arith.index_cast %mul3A_281 : i32 to index
      %swap3A_282 = tpu.vector_load %arg12[%swap3A] {strides = array<i32>} : memref<4096xi32, #tpu.memory_space<vmem>>, vector<16xi32>,
      %swap3A_283 = vector.shape_cast %swap3A_282 : vector<16xi32> to vector<16xi32>
      %swap3A_284 = vector.shape_cast %add3A_279 : vector<16xi32> to vector<16xi32>
      tpu.vector_store %arg12[%swap3A], %swap3A_284 {strides = array<i32>} : memref<4096xi32, #tpu.memory_space<vmem>>, vector<16xi32>,
      %scan3A_285 = arith.constant 0 : i32
      scf.yield %scan3A_285 : i32
    }
    %scan3A_203 = arith.constant 256 : i32
    %dma_wait3A_204 = arith.constant 0 : i32
    %dma_wait3A_205 = tpu.memref_slice %arg6[%dma_wait3A_204] : memref<1600016xf32, #tpu.memory_space<vmem_shared>> -> memref<1600016xf32, #tpu.memory_space<vmem_shared>>
    tpu.wait_indirect_dma semaphore(%arg13 : memref<!tpu.dma_semaphore, #tpu.memory_space<semaphore_mem>>) src(%arg9 : memref<4096xf32, #tpu.memory_space<vmem>>) dst(%dma_wait3A_205 : memref<1600016xf32, #tpu.memory_space<vmem_shared>>)
    %add3A_206 = arith.constant 8192 : i32
    %add3A_207 = arith.addi %mul3A_157, %add3A_206 : i32
    %dma_start3A_208 = tpu.memref_slice %arg3[%add3A_207] : memref<1048576xi32, #tpu.memory_space<hbm>> -> memref<4096xi32, #tpu.memory_space<hbm>>
    %dma_start3A_209 = tpu.memref_slice %arg3[%add3A_207] : memref<1048576xi32, #tpu.memory_space<hbm>> -> memref<4096xi32, #tpu.memory_space<hbm>>
    tpu.enqueue_dma source(%dma_start3A_209 : memref<4096xi32, #tpu.memory_space<hbm>>) target(%arg7 : memref<4096xi32, #tpu.memory_space<vmem>>) target_semaphore(%arg14 : memref<!tpu.dma_semaphore, #tpu.memory_space<semaphore_mem>>)
    %add3A_210 = arith.constant 8192 : i32
    %add3A_211 = arith.addi %mul3A_157, %add3A_210 : i32
    %dma_start3A_212 = tpu.memref_slice %arg4[%add3A_211] : memref<1048576xf32, #tpu.memory_space<hbm>> -> memref<4096xf32, #tpu.memory_space<hbm>>
    %dma_start3A_213 = tpu.memref_slice %arg4[%add3A_211] : memref<1048576xf32, #tpu.memory_space<hbm>> -> memref<4096xf32, #tpu.memory_space<hbm>>
    tpu.enqueue_dma source(%dma_start3A_213 : memref<4096xf32, #tpu.memory_space<hbm>>) target(%arg9 : memref<4096xf32, #tpu.memory_space<vmem>>) target_semaphore(%arg14 : memref<!tpu.dma_semaphore, #tpu.memory_space<semaphore_mem>>)
    %dma_start3A_214 = arith.constant 0 : i32
    %dma_start3A_215 = tpu.memref_slice %arg6[%dma_start3A_214] : memref<1600016xf32, #tpu.memory_space<vmem_shared>> -> memref<1600016xf32, #tpu.memory_space<vmem_shared>>
    tpu.enqueue_indirect_dma source(%arg10 : memref<4096xf32, #tpu.memory_space<vmem>>) target(%dma_start3A_215 : memref<1600016xf32, #tpu.memory_space<vmem_shared>>) offsets(%arg12 : memref<4096xi32, #tpu.memory_space<vmem>>) semaphore(%arg13 : memref<!tpu.dma_semaphore, #tpu.memory_space<semaphore_mem>>) {add = true}
    %add3A_216 = arith.constant 8192 : i32
    %add3A_217 = arith.addi %mul3A_157, %add3A_216 : i32
    %dma_wait3A_218 = tpu.memref_slice %arg3[%add3A_217] : memref<1048576xi32, #tpu.memory_space<hbm>> -> memref<4096xi32, #tpu.memory_space<hbm>>
    %dma_wait3A_219 = tpu.memref_slice %arg3[%add3A_217] : memref<1048576xi32, #tpu.memory_space<hbm>> -> memref<4096xi32, #tpu.memory_space<hbm>>
    tpu.wait_dma2 semaphore(%arg14 : memref<!tpu.dma_semaphore, #tpu.memory_space<semaphore_mem>>) src(%dma_wait3A_219 : memref<4096xi32, #tpu.memory_space<hbm>>) dst(%arg7 : memref<4096xi32, #tpu.memory_space<vmem>>)
    %add3A_220 = arith.constant 8192 : i32
    %add3A_221 = arith.addi %mul3A_157, %add3A_220 : i32
    %dma_wait3A_222 = tpu.memref_slice %arg4[%add3A_221] : memref<1048576xf32, #tpu.memory_space<hbm>> -> memref<4096xf32, #tpu.memory_space<hbm>>
    %dma_wait3A_223 = tpu.memref_slice %arg4[%add3A_221] : memref<1048576xf32, #tpu.memory_space<hbm>> -> memref<4096xf32, #tpu.memory_space<hbm>>
    tpu.wait_dma2 semaphore(%arg14 : memref<!tpu.dma_semaphore, #tpu.memory_space<semaphore_mem>>) src(%dma_wait3A_223 : memref<4096xf32, #tpu.memory_space<hbm>>) dst(%arg9 : memref<4096xf32, #tpu.memory_space<vmem>>)
    %scan3A_224 = arith.constant 0 : i32
    %scan3A_225 = arith.constant 0 : i32
    %scan3A_226 = arith.constant 256 : i32
    %scan3A_227 = arith.addi %scan3A_225, %scan3A_226 : i32
    %scan3A_228 = arith.constant 1 : i32
    %scan3A_229 = scf.for %scan3A_270 = %scan3A_225 to %scan3A_227 step %scan3A_228 iter_args(%scan3A_271 = %scan3A_224) -> (i32)  : i32 {
      %mul3A_272 = arith.constant 16 : i32
      %mul3A_273 = arith.muli %scan3A_270, %mul3A_272 : i32
      %get3A = arith.index_cast %mul3A_273 : i32 to index
      %get3A_274 = tpu.vector_load %arg7[%get3A] {strides = array<i32>} : memref<4096xi32, #tpu.memory_space<vmem>>, vector<16xi32>,
      %get3A_275 = vector.shape_cast %get3A_274 : vector<16xi32> to vector<16xi32>
      %mul3A_276 = arith.constant 100000 : i32
      %mul3A_277 = arith.muli %arg1, %mul3A_276 : i32
      %add3A_278 = vector.broadcast %mul3A_277 : i32 to vector<16xi32>
      %add3A_279 = arith.addi %get3A_275, %add3A_278 : vector<16xi32>
      %mul3A_280 = arith.constant 16 : i32
      %mul3A_281 = arith.muli %scan3A_270, %mul3A_280 : i32
      %swap3A = arith.index_cast %mul3A_281 : i32 to index
      %swap3A_282 = tpu.vector_load %arg11[%swap3A] {strides = array<i32>} : memref<4096xi32, #tpu.memory_space<vmem>>, vector<16xi32>,
      %swap3A_283 = vector.shape_cast %swap3A_282 : vector<16xi32> to vector<16xi32>
      %swap3A_284 = vector.shape_cast %add3A_279 : vector<16xi32> to vector<16xi32>
      tpu.vector_store %arg11[%swap3A], %swap3A_284 {strides = array<i32>} : memref<4096xi32, #tpu.memory_space<vmem>>, vector<16xi32>,
      %scan3A_285 = arith.constant 0 : i32
      scf.yield %scan3A_285 : i32
    }
    %scan3A_230 = arith.constant 256 : i32
    %dma_wait3A_231 = arith.constant 0 : i32
    %dma_wait3A_232 = tpu.memref_slice %arg6[%dma_wait3A_231] : memref<1600016xf32, #tpu.memory_space<vmem_shared>> -> memref<1600016xf32, #tpu.memory_space<vmem_shared>>
    tpu.wait_indirect_dma semaphore(%arg13 : memref<!tpu.dma_semaphore, #tpu.memory_space<semaphore_mem>>) src(%arg10 : memref<4096xf32, #tpu.memory_space<vmem>>) dst(%dma_wait3A_232 : memref<1600016xf32, #tpu.memory_space<vmem_shared>>)
    %add3A_233 = arith.constant 12288 : i32
    %add3A_234 = arith.addi %mul3A_157, %add3A_233 : i32
    %dma_start3A_235 = tpu.memref_slice %arg3[%add3A_234] : memref<1048576xi32, #tpu.memory_space<hbm>> -> memref<4096xi32, #tpu.memory_space<hbm>>
    %dma_start3A_236 = tpu.memref_slice %arg3[%add3A_234] : memref<1048576xi32, #tpu.memory_space<hbm>> -> memref<4096xi32, #tpu.memory_space<hbm>>
    tpu.enqueue_dma source(%dma_start3A_236 : memref<4096xi32, #tpu.memory_space<hbm>>) target(%arg8 : memref<4096xi32, #tpu.memory_space<vmem>>) target_semaphore(%arg14 : memref<!tpu.dma_semaphore, #tpu.memory_space<semaphore_mem>>)
    %add3A_237 = arith.constant 12288 : i32
    %add3A_238 = arith.addi %mul3A_157, %add3A_237 : i32
    %dma_start3A_239 = tpu.memref_slice %arg4[%add3A_238] : memref<1048576xf32, #tpu.memory_space<hbm>> -> memref<4096xf32, #tpu.memory_space<hbm>>
    %dma_start3A_240 = tpu.memref_slice %arg4[%add3A_238] : memref<1048576xf32, #tpu.memory_space<hbm>> -> memref<4096xf32, #tpu.memory_space<hbm>>
    tpu.enqueue_dma source(%dma_start3A_240 : memref<4096xf32, #tpu.memory_space<hbm>>) target(%arg10 : memref<4096xf32, #tpu.memory_space<vmem>>) target_semaphore(%arg14 : memref<!tpu.dma_semaphore, #tpu.memory_space<semaphore_mem>>)
    %dma_start3A_241 = arith.constant 0 : i32
    %dma_start3A_242 = tpu.memref_slice %arg6[%dma_start3A_241] : memref<1600016xf32, #tpu.memory_space<vmem_shared>> -> memref<1600016xf32, #tpu.memory_space<vmem_shared>>
    tpu.enqueue_indirect_dma source(%arg9 : memref<4096xf32, #tpu.memory_space<vmem>>) target(%dma_start3A_242 : memref<1600016xf32, #tpu.memory_space<vmem_shared>>) offsets(%arg11 : memref<4096xi32, #tpu.memory_space<vmem>>) semaphore(%arg13 : memref<!tpu.dma_semaphore, #tpu.memory_space<semaphore_mem>>) {add = true}
    %add3A_243 = arith.constant 12288 : i32
    %add3A_244 = arith.addi %mul3A_157, %add3A_243 : i32
    %dma_wait3A_245 = tpu.memref_slice %arg3[%add3A_244] : memref<1048576xi32, #tpu.memory_space<hbm>> -> memref<4096xi32, #tpu.memory_space<hbm>>
    %dma_wait3A_246 = tpu.memref_slice %arg3[%add3A_244] : memref<1048576xi32, #tpu.memory_space<hbm>> -> memref<4096xi32, #tpu.memory_space<hbm>>
    tpu.wait_dma2 semaphore(%arg14 : memref<!tpu.dma_semaphore, #tpu.memory_space<semaphore_mem>>) src(%dma_wait3A_246 : memref<4096xi32, #tpu.memory_space<hbm>>) dst(%arg8 : memref<4096xi32, #tpu.memory_space<vmem>>)
    %add3A_247 = arith.constant 12288 : i32
    %add3A_248 = arith.addi %mul3A_157, %add3A_247 : i32
    %dma_wait3A_249 = tpu.memref_slice %arg4[%add3A_248] : memref<1048576xf32, #tpu.memory_space<hbm>> -> memref<4096xf32, #tpu.memory_space<hbm>>
    %dma_wait3A_250 = tpu.memref_slice %arg4[%add3A_248] : memref<1048576xf32, #tpu.memory_space<hbm>> -> memref<4096xf32, #tpu.memory_space<hbm>>
    tpu.wait_dma2 semaphore(%arg14 : memref<!tpu.dma_semaphore, #tpu.memory_space<semaphore_mem>>) src(%dma_wait3A_250 : memref<4096xf32, #tpu.memory_space<hbm>>) dst(%arg10 : memref<4096xf32, #tpu.memory_space<vmem>>)
    %scan3A_251 = arith.constant 0 : i32
    %scan3A_252 = arith.constant 0 : i32
    %scan3A_253 = arith.constant 256 : i32
    %scan3A_254 = arith.addi %scan3A_252, %scan3A_253 : i32
    %scan3A_255 = arith.constant 1 : i32
    %scan3A_256 = scf.for %scan3A_270 = %scan3A_252 to %scan3A_254 step %scan3A_255 iter_args(%scan3A_271 = %scan3A_251) -> (i32)  : i32 {
      %mul3A_272 = arith.constant 16 : i32
      %mul3A_273 = arith.muli %scan3A_270, %mul3A_272 : i32
      %get3A = arith.index_cast %mul3A_273 : i32 to index
      %get3A_274 = tpu.vector_load %arg8[%get3A] {strides = array<i32>} : memref<4096xi32, #tpu.memory_space<vmem>>, vector<16xi32>,
      %get3A_275 = vector.shape_cast %get3A_274 : vector<16xi32> to vector<16xi32>
      %mul3A_276 = arith.constant 100000 : i32
      %mul3A_277 = arith.muli %arg1, %mul3A_276 : i32
      %add3A_278 = vector.broadcast %mul3A_277 : i32 to vector<16xi32>
      %add3A_279 = arith.addi %get3A_275, %add3A_278 : vector<16xi32>
      %mul3A_280 = arith.constant 16 : i32
      %mul3A_281 = arith.muli %scan3A_270, %mul3A_280 : i32
      %swap3A = arith.index_cast %mul3A_281 : i32 to index
      %swap3A_282 = tpu.vector_load %arg12[%swap3A] {strides = array<i32>} : memref<4096xi32, #tpu.memory_space<vmem>>, vector<16xi32>,
      %swap3A_283 = vector.shape_cast %swap3A_282 : vector<16xi32> to vector<16xi32>
      %swap3A_284 = vector.shape_cast %add3A_279 : vector<16xi32> to vector<16xi32>
      tpu.vector_store %arg12[%swap3A], %swap3A_284 {strides = array<i32>} : memref<4096xi32, #tpu.memory_space<vmem>>, vector<16xi32>,
      %scan3A_285 = arith.constant 0 : i32
      scf.yield %scan3A_285 : i32
    }
    %scan3A_257 = arith.constant 256 : i32
    %dma_wait3A_258 = arith.constant 0 : i32
    %dma_wait3A_259 = tpu.memref_slice %arg6[%dma_wait3A_258] : memref<1600016xf32, #tpu.memory_space<vmem_shared>> -> memref<1600016xf32, #tpu.memory_space<vmem_shared>>
    tpu.wait_indirect_dma semaphore(%arg13 : memref<!tpu.dma_semaphore, #tpu.memory_space<semaphore_mem>>) src(%arg9 : memref<4096xf32, #tpu.memory_space<vmem>>) dst(%dma_wait3A_259 : memref<1600016xf32, #tpu.memory_space<vmem_shared>>)
    %dma_start3A_260 = arith.constant 0 : i32
    %dma_start3A_261 = tpu.memref_slice %arg6[%dma_start3A_260] : memref<1600016xf32, #tpu.memory_space<vmem_shared>> -> memref<1600016xf32, #tpu.memory_space<vmem_shared>>
    tpu.enqueue_indirect_dma source(%arg10 : memref<4096xf32, #tpu.memory_space<vmem>>) target(%dma_start3A_261 : memref<1600016xf32, #tpu.memory_space<vmem_shared>>) offsets(%arg12 : memref<4096xi32, #tpu.memory_space<vmem>>) semaphore(%arg13 : memref<!tpu.dma_semaphore, #tpu.memory_space<semaphore_mem>>) {add = true}
    %dma_wait3A_262 = arith.constant 0 : i32
    %dma_wait3A_263 = tpu.memref_slice %arg6[%dma_wait3A_262] : memref<1600016xf32, #tpu.memory_space<vmem_shared>> -> memref<1600016xf32, #tpu.memory_space<vmem_shared>>
    tpu.wait_indirect_dma semaphore(%arg13 : memref<!tpu.dma_semaphore, #tpu.memory_space<semaphore_mem>>) src(%arg10 : memref<4096xf32, #tpu.memory_space<vmem>>) dst(%dma_wait3A_263 : memref<1600016xf32, #tpu.memory_space<vmem_shared>>)
    %barrier3A_264 = arith.constant 0 : index
    tpu.barrier barrier_id(%barrier3A_264)
    %mul3A_265 = arith.constant 100000 : i32
    %mul3A_266 = arith.muli %arg1, %mul3A_265 : i32
    %mul3A_267 = arith.constant 100000 : i32
    %mul3A_268 = arith.muli %arg1, %mul3A_267 : i32
    %add3A_269 = arith.addi %mul3A_150, %mul3A_268 : i32
    "tpu.region"() ({
      %run_scoped3A = tpu.sem_alloc : memref<!tpu.dma_semaphore, #tpu.memory_space<semaphore_mem>>
      %dma_start3A_270 = tpu.memref_slice %arg5[%add3A_269] : memref<6400000xf32, #tpu.memory_space<hbm>> -> memref<100000xf32, #tpu.memory_space<hbm>>
      %dma_start3A_271 = tpu.memref_slice %arg6[%mul3A_266] : memref<1600016xf32, #tpu.memory_space<vmem_shared>> -> memref<100000xf32, #tpu.memory_space<vmem_shared>>
      tpu.enqueue_dma source(%dma_start3A_271 : memref<100000xf32, #tpu.memory_space<vmem_shared>>) target(%dma_start3A_270 : memref<100000xf32, #tpu.memory_space<hbm>>) target_semaphore(%run_scoped3A : memref<!tpu.dma_semaphore, #tpu.memory_space<semaphore_mem>>)
      %dma_wait3A_272 = tpu.memref_slice %arg5[%add3A_269] : memref<6400000xf32, #tpu.memory_space<hbm>> -> memref<100000xf32, #tpu.memory_space<hbm>>
      %dma_wait3A_273 = tpu.memref_slice %arg6[%mul3A_266] : memref<1600016xf32, #tpu.memory_space<vmem_shared>> -> memref<100000xf32, #tpu.memory_space<vmem_shared>>
      tpu.wait_dma2 semaphore(%run_scoped3A : memref<!tpu.dma_semaphore, #tpu.memory_space<semaphore_mem>>) src(%dma_wait3A_273 : memref<100000xf32, #tpu.memory_space<vmem_shared>>) dst(%dma_wait3A_272 : memref<100000xf32, #tpu.memory_space<hbm>>)
      tpu.yield
    }) : () -> ()
    return
  }
}

</mosaic_0001>

<sc_bundles>
// kernel: kernel.3.cloned.1.call-start
scs
__scs_entry_jumppad:
0x0: {  	(pc) =	sbr.rel $0x88, $3  }
0x1: {  	(tag) =	ssettag $0x0;
	lr =	simm.s32 $0x1  }
0x2: {  	[smem:$0x3F9D] =	sst lr;
	_ =	strace $0xD0000000  }
0x3: {  	_ = 	snop  }
0x4: {  	_ = 	snop  }
0x5: {  	_ = 	snop  }
0x6: {  	_ = 	snop  }
0x7: {  	_ = 	snop  }
__scs_overlays_trampoline_lowered:
0x8: {  	[smem:$0x3FAC] =	sst s0  }
0x9: {  	[smem:$0x3FAD] =	sst s1  }
0xa: {  	[smem:$0x3FAE] =	sst s2  }
0xb: {  	[smem:$0x3FAF] =	sst s3  }
0xc: {  	[smem:$0x3FB0] =	sst s4  }
0xd: {  	[smem:$0x3FB1] =	sst s5  }
0xe: {  	[smem:$0x3FB2] =	sst s6  }
0xf: {  	[smem:$0x3FB3] =	sst s7  }
0x10: {  	[smem:$0x3FB4] =	sst s8  }
0x11: {  	[smem:$0x3FB5] =	sst s9;
	s0 =	simm.s32 @!p0 $0x0  }
0x12: {  	s1 =	sld [smem:$0x3F9B];
	s0 =	simm.s32 @p0 $0x1  }
0x13: {  	[smem:$0x3FB6] =	sst s0;
	s0 =	simm.s32 @!p1 $0x0  }
0x14: {  	s2 =	sld [smem:$0x3F9A];
	s0 =	simm.s32 @p1 $0x1  }
0x15: {  	[smem:$0x3FB7] =	sst s0;
	s0 =	simm.s32 @!p2 $0x0  }
0x16: {  	s3 =	sld [smem:$0x3FDB];
	s0 =	simm.s32 @p2 $0x1  }
0x17: {  	s4 =	simm.s32 $0x1BF5;
	[smem:$0x3FB9] =	sst s0  }
0x18: {  	s0 =	sld [smem:$0x3F9C];
	_ =	swait.ge [sflag:s4], $0x0  }
0x19: {  	s7 =	sld [smem:$0x3F9D]  }
0x1a: {  	s8 =	sadd.s32 $0xFFFFE003, lr  }
0x1b: {  	s9 =	sadd.s32 $0xFFFFFEF7, lr;
	s5 =	simm.s32 $0xFFFFFFFF;
	p2 =	slt.u32 s8, $0xFFFFF086  }
0x1c: {  	p1 =	slt.u32 s9, $0xF7A;
	s5 =	simm.s32 @!p2 $0x0  }
0x1d: {  	s5 =	simm.s32 @p1 $0x1;
	p0 =	seq.s32 s7, s2  }
0x1e: {  	s7 =	smul.u32 @!p0 $0xF7A, s2;
	p2 =	seq.s32 @!p0 s5, $0x0  }
0x1f: {  	s9 =	smul.u32 $0xF7A, s1;
	s8 =	simm.s32 @!p0 $0x1BF5;
	p2 =	por !p2, p0  }
0x20: {  	[sflag:s8] =	ssyncset.s32 @!p0 $0xFFFFF086;
	s6 =	sadd.s32 @!p0 s3, s7;
	s7 =	simm.s32 @!p0 $0x108  }
0x21: {  	s3 =	sadd.s32 s3, s9;
	s6 =	sadd.s32 @!p0 $0x88, s6;
	s7 =	simm.s32 @p2 $0x1082  }
0x22: {  	[simem:s7], [sflag:s8] =	dma.local @!p0 [hbm:s6], $0xF7A  }
0x23: {  	s9 =	sor.u32 $0xD0000000, s2;
	s6 =	simm.s32 $0x108;
	_ =	swait.ge @!p0 [sflag:s8], $0x0  }
0x24: {  	s3 =	sadd.s32 $0x88, s3;
	s6 =	simm.s32 @!p1 $0x1082;
	[sflag:s4] =	ssyncset.s32 $0xFFFFF086  }
0x25: {  	[simem:s6], [sflag:s4] =	dma.local [hbm:s3], $0xF7A  }
0x26: {  	[smem:$0x3F9D] =	sst s1;
	(tag) =	ssettag s2;
	_ =	strace s9  }
0x27: {  	s1 =	sld [smem:$0x3FAD]  }
0x28: {  	s2 =	sld [smem:$0x3FAE]  }
0x29: {  	s4 =	sld [smem:$0x3FB0]  }
0x2a: {  	p0 =	seq.s32 s5, $0x0;
	s5 =	sld [smem:$0x3FB1]  }
0x2b: {  	s6 =	sld [smem:$0x3FB2]  }
0x2c: {  	s7 =	sld [smem:$0x3FB3]  }
0x2d: {  	s3 =	simm.s32 $0x108;
	s8 =	sld [smem:$0x3FB4]  }
0x2e: {  	s3 =	simm.s32 @!p0 $0x1082;
	s9 =	sld [smem:$0x3FB5]  }
0x2f: {  	lr =	sadd.s32 s0, s3;
	s0 =	sld [smem:$0x3FAC]  }
0x30: {  	s3 =	sld [smem:$0x3FAF]  }
0x31: {  	[smem:$0x3FB8] =	sst s10  }
0x32: {  	s10 =	sld [smem:$0x3FB6];
	_ =	sdelay $0x3  }
0x33: {  	p0 =	seq.s32 s10, $0x1;
	s10 =	sld [smem:$0x3FB8];
	_ =	sdelay $0x3  }
0x34: {  	[smem:$0x3FB8] =	sst s10  }
0x35: {  	s10 =	sld [smem:$0x3FB7];
	_ =	sdelay $0x3  }
0x36: {  	p1 =	seq.s32 s10, $0x1;
	s10 =	sld [smem:$0x3FB8];
	_ =	sdelay $0x3  }
0x37: {  	[smem:$0x3FB8] =	sst s10  }
0x38: {  	s10 =	sld [smem:$0x3FB9]  }
0x39: {  	_ = 	snop;
	(pc) =	sbr.ind lr, $3  }
0x3a: {  	_ = 	snop  }
0x3b: {  	_ = 	snop  }
0x3c: {  	p2 =	seq.s32 s10, $0x1;
	s10 =	sld [smem:$0x3FB8]  }
0x3d: {  	_ =	shalt  }
0x3e: {  	_ =	shalt  }
0x3f: {  	_ =	shalt  }
0x40: {  	_ =	shalt  }
0x41: {  	_ =	shalt  }
0x42: {  	_ =	shalt  }
0x43: {  	_ =	shalt  }
0x44: {  	_ =	shalt  }
0x45: {  	_ =	shalt  }
0x46: {  	_ =	shalt  }
0x47: {  	_ =	shalt  }
0x48: {  	_ =	shalt  }
0x49: {  	_ =	shalt  }
0x4a: {  	_ =	shalt  }
0x4b: {  	_ =	shalt  }
0x4c: {  	_ =	shalt  }
0x4d: {  	_ =	shalt  }
0x4e: {  	_ =	shalt  }
0x4f: {  	_ =	shalt  }
0x50: {  	_ =	shalt  }
0x51: {  	_ =	shalt  }
0x52: {  	_ =	shalt  }
0x53: {  	_ =	shalt  }
0x54: {  	_ =	shalt  }
0x55: {  	_ =	shalt  }
0x56: {  	_ =	shalt  }
0x57: {  	_ =	shalt  }
0x58: {  	_ =	shalt  }
0x59: {  	_ =	shalt  }
0x5a: {  	_ =	shalt  }
0x5b: {  	_ =	shalt  }
0x5c: {  	_ =	shalt  }
0x5d: {  	_ =	shalt  }
0x5e: {  	_ =	shalt  }
0x5f: {  	_ =	shalt  }
0x60: {  	_ =	shalt  }
0x61: {  	_ =	shalt  }
0x62: {  	_ =	shalt  }
0x63: {  	_ =	shalt  }
0x64: {  	_ =	shalt  }
0x65: {  	_ =	shalt  }
0x66: {  	_ =	shalt  }
0x67: {  	_ =	shalt  }
0x68: {  	_ =	shalt  }
0x69: {  	_ =	shalt  }
0x6a: {  	_ =	shalt  }
0x6b: {  	_ =	shalt  }
0x6c: {  	_ =	shalt  }
0x6d: {  	_ =	shalt  }
0x6e: {  	_ =	shalt  }
0x6f: {  	_ =	shalt  }
0x70: {  	_ =	shalt  }
0x71: {  	_ =	shalt  }
0x72: {  	_ =	shalt  }
0x73: {  	_ =	shalt  }
0x74: {  	_ =	shalt  }
0x75: {  	_ =	shalt  }
0x76: {  	_ =	shalt  }
0x77: {  	_ =	shalt  }
0x78: {  	_ =	shalt  }
0x79: {  	_ =	shalt  }
0x7a: {  	_ =	shalt  }
0x7b: {  	_ =	shalt  }
0x7c: {  	_ =	shalt  }
0x7d: {  	_ =	shalt  }
0x7e: {  	_ =	shalt  }
0x7f: {  	_ =	shalt  }
0x80: {  	_ =	shalt  }
0x81: {  	_ =	shalt  }
0x82: {  	_ =	shalt  }
0x83: {  	_ =	shalt  }
0x84: {  	_ =	shalt  }
0x85: {  	_ =	shalt  }
0x86: {  	_ =	shalt  }
0x87: {  	_ =	shalt  }
.Lfunc_end0:
.L_simem_size_0:
called_computation_lowered:
.L_overlay_start_0:
0x88: {  	s2 =	sld [smem:$0x3FD9]  }
0x89: {  	s3 =	sld [smem:$0x3FFE];
	_ =	sdelay $0x1  }
0x8a: {  	s1 =	srdreg.scid  }
0x8b: {  	s0 =	sand.u32 $0x1, s1  }
0x8c: {  	s17 =	sshll.u32 s0, $0xA;
	s2 =	sadd.s32 s3, s2  }
0x8d: {  	s2 =	sadd.s32 s2, s17  }
0x8e: {  	[smem:$0x3FC4] =	sst s2  }
0x8f: {  	_ = 	snop  }
0x90: {  	s2 =	sld [smem:$0x3FD0];
	(tm) =	ssettm $0x1  }
0x91: {  	s18 =	sld [smem:$0x3FFB];
	_ =	sdelay $0x3  }
0x92: {  	_ =	strace s18  }
0x93: {  	s3 =	sld [smem:$0x3FFC];
	_ =	sdelay $0x3  }
0x94: {  	_ =	strace s3  }
0x95: {  	s3 =	sld [smem:$0x3FFD];
	_ =	sdelay $0x3  }
0x96: {  	_ =	strace s3  }
0x97: {  	_ =	strace $0x8FFFFFFF  }
0x98: {  	s19 =	sld [smem:$0x3FDB];
	_ =	sdelay $0x1  }
0x99: {  	s4 =	simm.s32 $_scs_section_size  }
0x9a: {  	s5 =	simm.s32 $_size__tile_overlayer_lowered;
	s6 =	simm.s32 $_tile_overlayer_lowered  }
0x9b: {  	s22 =	simm.s32 $0x1BFF;
	s21 =	sshll.u32 s6, $0x1;
	s3 =	sadd.s32 s4, s19  }
0x9c: {  	s7 =	simm.s32 $0x0;
	s20 =	sshll.u32 s5, $0x1;
	s5 =	sadd.s32 s21, s3  }
0x9d: {  	[timem:s7], [sflag:s22] =	dma.local [hbm:s5], s20  }
0x9e: {  	_ =	swait.ge [sflag:s22], s20  }
0x9f: {  	s4 =	ssub.s32 $0x0, s20;
	[sflag:s22] =	ssyncset.done $0x0  }
0xa0: {  	[sflag:s22] =	ssyncadd.s32 s4;
	_ =	sdelay $0x1  }
0xa1: {  	s23 =	simm.s32 $0x1B8B  }
0xa2: {  	_ =	swait.ge [sflag:s23], $0x1  }
0xa3: {  	[sflag:s23] =	ssyncset.done $0x0  }
0xa4: {  	s25 =	simm.s32 $0x1B8E;
	s24 =	sld [smem:$0x3FFE];
	[sflag:s23] =	ssyncadd.s32 $0xFFFFFFFF  }
0xa5: {  	s26 =	simm.s32 $execute0_lowered;
	[smem:$0x3FD2] =	sst s25  }
0xa6: {  	s5 =	sshll.u32 s26, $0x1;
	_ =	strace $0x80000046;
	[dreg:$0x1] =	wrdreg $0xFFFFFFFF  }
0xa7: {  	s28 =	simm.s32 $_size_execute0_lowered;
	s3 =	sadd.s32 s3, s5;
	[dreg:$0x0] =	wrdreg $0x0  }
0xa8: {  	s5 =	sshll.u32 s28, $0x1;
	[dreg:$0x2] =	wrdreg s3  }
0xa9: {  	[dreg:$0x3] =	wrdreg s5  }
0xaa: {  	[dreg:$0x4] =	wrdreg $0xC0  }
0xab: {  	_ =	task [dreg:s7], $0x5FFFF  }
0xac: {  	[dreg:$0x1] =	wrdreg $0xFFFFFFFF  }
0xad: {  	[dreg:$0x0] =	wrdreg $0x60  }
0xae: {  	[dreg:$0x2] =	wrdreg s2  }
0xaf: {  	[dreg:$0x3] =	wrdreg s24  }
0xb0: {  	[dreg:$0x4] =	wrdreg $0x0  }
0xb1: {  	[dreg:$0x5] =	wrdreg $0x9  }
0xb2: {  	_ =	task.clear_ibuf [dreg:s7], $0x6FFFF;
	_ =	strace $0x90000046  }
0xb3: {  	s29 =	simm.s32 $0x9;
	_ =	strace $0x80000048  }
0xb4: {  	_ =	swait.ge [sflag:s29], $0x1  }
0xb5: {  	[sflag:s29] =	ssyncadd.s32 $0xFFFFFFFF  }
0xb6: {  	_ =	strace $0x90000048  }
0xb7: {  	_ =	sfence  }
0xb8: {  	s30 =	sld [smem:$0x0];
	_ =	sdelay $0x2  }
0xb9: {  	s31 =	sshll.u32 s1, $0xD;
	s1 =	sshrl.u32 s1, $0x2  }
0xba: {  	s3 =	sand.u32 $0x4000, s31;
	s1 =	sadd.s32 s1, s30  }
0xbb: {  	s0 =	sor.u32 s3, s0;
	s1 =	sshll.u32 s1, $0x11  }
0xbc: {  	s0 =	sor.u32 s1, s0  }
0xbd: {  	s0 =	sadd.s32 $0x8F2B, s0  }
0xbe: {  	[sflag:s0] =	ssyncadd.remote.s32 $0x1  }
0xbf: {  	_ =	sfence.sel $0xFFFF  }
0xc0: {  	[dreg:$0x0] =	wrdreg $0xFFFFFFFF;
	(pc) =	sbr.abs _section_cstart, $3  }
0xc1: {  	[dreg:$0x1] =	wrdreg $0xFFFFFFFF  }
0xc2: {  	_ =	task.clear_ibuf [dreg:s7], $0x2FFFF;
	_ =	strace $0x9FFFFFFF  }
0xc3: {  	(tm) =	ssettm $0x7FFFFFFF  }
tec
execute0_lowered:
.L_overlay_start_1:
0x0: {  	(tag) =	ssettag $0x1  }
0x1: {  	s0 =	rddreg [dreg:$0x0]  }
0x2: {  	s2 =	rddreg [dreg:$0x1]  }
0x3: {  	s1 =	rddreg [dreg:$0x2]  }
0x4: {  	s4 =	srdreg.scid;
	s24 =	stileid.u32  }
0x5: {  	s28 =	simm.s32 $0x186A8;
	s29 =	simm.s32 $0x1A6A8;
	s30 =	simm.s32 $0x3  }
0x6: {  	s31 =	simm.s32 $0x2;
	s3 =	sadd.s32 $0x600, s2;
	s5 =	sadd.s32 $0x20600, s2  }
0x7: {  	s4 =	sand.u32 $0x1, s4;
	s7 =	sshll.u32 s24, $0xE;
	s8 =	smul.u32 $0x186A0, s24  }
0x8: {  	s2 =	sadd.s32 $0x40600, s2;
	s26 =	sshll.u32 s24, $0x6;
	s6 =	sshll.u32 s4, $0x12  }
0x9: {  	s9 =	ssub.s32 $0x2, s4;
	s10 =	smul.u32 $0x186A00, s4;
	s4 =	sor.u32 $0x2, s4  }
0xa: {  	s24 =	sor.u32 $0x1C03, s26;
	s6 =	sor.u32 s7, s6;
	s11 =	sshrl.u32 s9, $0x1  }
0xb: {  	s19 =	sshll.u32 s4, $0x12;
	s4 =	smul.u32 $0x186A00, s4;
	s26 =	sadd.s32 s8, s1  }
0xc: {  	s6 =	sshrl.u32 s6, $0x3;
	s9 =	ssub.s32 s9, s11;
	s10 =	sadd.s32 s8, s10  }
0xd: {  	s7 =	sor.u32 s7, s19;
	s14 =	sadd.s32 s3, s6;
	s15 =	sadd.s32 s5, s6  }
0xe: {  	s10 =	sshrl.u32 s10, $0x3;
	s16 =	sor.u32 $0x200, s6;
	s17 =	sor.u32 $0x400, s6  }
0xf: {  	s6 =	sor.u32 $0x600, s6;
	s7 =	sshrl.u32 s7, $0x3;
	[dreg:$0x4] =	wrdreg s14  }
0x10: {  	s4 =	sadd.s32 s8, s4;
	[dreg:$0x5] =	wrdreg s15;
	s12 =	sadd.s32 s3, s16  }
0x11: {  	s11 =	sadd.s32 s5, s16;
	s18 =	sadd.s32 s3, s17;
	[dreg:$0x6] =	wrdreg s12  }
0x12: {  	s20 =	sadd.s32 s3, s6;
	s6 =	sadd.s32 s5, s6;
	[dreg:$0x7] =	wrdreg s11  }
0x13: {  	s21 =	sadd.s32 s3, s7;
	s22 =	sor.u32 $0x200, s7;
	[dreg:$0x8] =	wrdreg s18  }
0x14: {  	s23 =	sor.u32 $0x400, s7;
	s19 =	sadd.s32 s0, s10;
	[dreg:$0xa] =	wrdreg s20  }
0x15: {  	s25 =	sshrl.u32 s4, $0x3;
	s4 =	simm.s32 $0x1C6A8;
	[dreg:$0xb] =	wrdreg s6  }
0x16: {  	s12 =	sadd.s32 s5, s17;
	[dreg:$0xc] =	wrdreg s21;
	s13 =	sadd.s32 s3, s22  }
0x17: {  	s14 =	sadd.s32 s5, s22;
	s15 =	sadd.s32 s3, s23;
	s16 =	sadd.s32 s5, s23  }
0x18: {  	s20 =	sadd.s32 s2, s10;
	s21 =	sadd.s32 s0, s25;
	s22 =	simm.s32 $0x0  }
0x19: {  	s23 =	sadd.s32 s2, s25;
	s25 =	smax.u32 s9, $0x1;
	s0 =	simm.s32 $0x196A8  }
0x1a: {  	s2 =	simm.s32 $0x1B6A8;
	s6 =	simm.s32 $0x1D6A8;
	[dreg:$0x9] =	wrdreg s12  }
0x1b: {  	s12 =	sadd.s32 s5, s7;
	s7 =	sor.u32 $0x600, s7;
	[smem:$0x7FF] =	sst s22  }
0x1c: {  	s17 =	sadd.s32 s3, s7;
	s18 =	sadd.s32 s5, s7;
	_ =	strace $0x80000047  }
0x1d: {  	v0 =	vmov s8;
	s3 =	simm.s32 $0x1000;
	s5 =	simm.s32 $0x1;
	s7 =	simm.s32 $0x0  }
.LBB2_1:
0x1e: {  	s8 =	rddreg [dreg:$0x4]  }
0x1f: {  	[tilespmem:s28], [sflag:$0x2] =	stream.linear.gather [hbm4b:s8+s22], $0x1000, $0x38;
	[tilespmem:$0x1E6A8] =	vst v63  }
0x20: {  	s11 =	rddreg [dreg:$0x5];
	s8 =	sshrl.u32 s26, $0x3  }
0x21: {  	[tilespmem:s29], [sflag:$0x2] =	stream.linear.gather [hbm4b:s11+s22], $0x1000, $0x38;
	[tilespmem:$0x1E6A8] =	vst v63  }
0x22: {  	[spmem:s8], [sflag:s24] =	dma.local [hbm:s19], $0x30D4  }
0x23: {  	_ =	swait.ge [sflag:s30], $0x30D4  }
0x24: {  	[sflag:s30] =	ssyncset.done $0x0  }
0x25: {  	[sflag:s30] =	ssyncadd.s32 $0xFFFFCF2C  }
0x26: {  	[bflag:$0x0] =	sbarrier.arrive $0xFFFF  }
0x27: {  	_ =	swait.ge [sflag:s31], $0x1000  }
0x28: {  	[sflag:s31] =	ssyncset.done $0x0  }
0x29: {  	[sflag:s31] =	ssyncadd.s32 $0xFFFFF000  }
0x2a: {  	_ =	swait.ge [sflag:s31], $0x1000  }
0x2b: {  	[sflag:s31] =	ssyncset.done $0x0  }
0x2c: {  	s9 =	simm.s32 $0x0;
	[sflag:s31] =	ssyncadd.s32 $0xFFFFF000  }
0x2d: {  	s10 =	simm.s32 $0x40;
	v1 =	vld [tilespmem:s9+$0x186A8]  }
.LBB2_2:
0x2e: {  	p0 =	sne.s32 s10, $0x3FC0  }
.Ltmp0:
0x2f: {  	_ = 	snop;
	(pc) =	sbr.rel @p0 .LBB2_2-.Ltmp0, $3  }
0x30: {  	_ =	sdelay $0x1  }
0x31: {  	s11 =	sshra.s32 s10, $0x2;
	s10 =	sadd.s32 $0x40, s10;
	v2 =	vadd.s32 v0, v1  }
0x32: {  	v1 =	vld [tilespmem:s11+$0x186A8];
	[tilespmem:s9+$0x1C6A8] =	vst v2;
	s9 =	smov.u32 s11  }
0x33: {  	_ =	sdelay $0x3  }
0x34: {  	v1 =	vadd.s32 v0, v1  }
0x35: {  	s10 =	rddreg [dreg:$0x6];
	[tilespmem:s9+$0x1C6A8] =	vst v1;
	s9 =	simm.s32 $0x0  }
0x36: {  	[tilespmem:s0], [sflag:$0x2] =	stream.linear.gather [hbm4b:s10+s9], $0x1000, $0x38;
	[tilespmem:$0x1E6A8] =	vst v63  }
0x37: {  	s11 =	rddreg [dreg:$0x7]  }
0x38: {  	[tilespmem:s2], [sflag:$0x2] =	stream.linear.gather [hbm4b:s11+s9], $0x1000, $0x38;
	[tilespmem:$0x1E6A8] =	vst v63  }
0x39: {  	_ = 	snop  }
0x3a: {  	[spmem:s1] =	stream.indirect.scatter.add.f32 [tilespmem:s29], [sflag:$0x1], $0x1, s4, s3, $0xb8;
	[tilespmem:$0x1E6A8] =	vst v63  }
0x3b: {  	_ =	swait.ge [sflag:s31], $0x1000  }
0x3c: {  	[sflag:s31] =	ssyncset.done $0x0  }
0x3d: {  	[sflag:s31] =	ssyncadd.s32 $0xFFFFF000  }
0x3e: {  	_ =	swait.ge [sflag:s31], $0x1000  }
0x3f: {  	[sflag:s31] =	ssyncset.done $0x0  }
0x40: {  	s9 =	simm.s32 $0x0;
	[sflag:s31] =	ssyncadd.s32 $0xFFFFF000  }
0x41: {  	s10 =	simm.s32 $0x40;
	v1 =	vld [tilespmem:s9+$0x196A8]  }
.LBB2_4:
0x42: {  	p0 =	sne.s32 s10, $0x3FC0  }
.Ltmp1:
0x43: {  	_ = 	snop;
	(pc) =	sbr.rel @p0 .LBB2_4-.Ltmp1, $3  }
0x44: {  	_ =	sdelay $0x1  }
0x45: {  	s11 =	sshra.s32 s10, $0x2;
	s10 =	sadd.s32 $0x40, s10;
	v2 =	vadd.s32 v0, v1  }
0x46: {  	v1 =	vld [tilespmem:s11+$0x196A8];
	[tilespmem:s9+$0x1D6A8] =	vst v2;
	s9 =	smov.u32 s11  }
0x47: {  	_ =	sdelay $0x3  }
0x48: {  	v1 =	vadd.s32 v0, v1  }
0x49: {  	[tilespmem:s9+$0x1D6A8] =	vst v1  }
0x4a: {  	_ =	swait.ge [sflag:s5], $0x1000  }
0x4b: {  	[sflag:s5] =	ssyncset.done $0x0  }
0x4c: {  	s9 =	simm.s32 $0x0;
	s10 =	rddreg [dreg:$0x8];
	[sflag:s5] =	ssyncadd.s32 $0xFFFFF000  }
0x4d: {  	[tilespmem:s28], [sflag:$0x2] =	stream.linear.gather [hbm4b:s10+s9], $0x1000, $0x38;
	[tilespmem:$0x1E6A8] =	vst v63  }
0x4e: {  	s11 =	rddreg [dreg:$0x9]  }
0x4f: {  	[tilespmem:s29], [sflag:$0x2] =	stream.linear.gather [hbm4b:s11+s9], $0x1000, $0x38;
	[tilespmem:$0x1E6A8] =	vst v63  }
0x50: {  	_ = 	snop  }
0x51: {  	[spmem:s1] =	stream.indirect.scatter.add.f32 [tilespmem:s2], [sflag:$0x1], $0x1, s6, s3, $0xb8;
	[tilespmem:$0x1E6A8] =	vst v63  }
0x52: {  	_ =	swait.ge [sflag:s31], $0x1000  }
0x53: {  	[sflag:s31] =	ssyncset.done $0x0  }
0x54: {  	[sflag:s31] =	ssyncadd.s32 $0xFFFFF000  }
0x55: {  	_ =	swait.ge [sflag:s31], $0x1000  }
0x56: {  	[sflag:s31] =	ssyncset.done $0x0  }
0x57: {  	s9 =	simm.s32 $0x0;
	[sflag:s31] =	ssyncadd.s32 $0xFFFFF000  }
0x58: {  	s10 =	simm.s32 $0x40;
	v1 =	vld [tilespmem:s9+$0x186A8]  }
.LBB2_6:
0x59: {  	p0 =	sne.s32 s10, $0x3FC0  }
.Ltmp2:
0x5a: {  	_ = 	snop;
	(pc) =	sbr.rel @p0 .LBB2_6-.Ltmp2, $3  }
0x5b: {  	_ =	sdelay $0x1  }
0x5c: {  	s11 =	sshra.s32 s10, $0x2;
	s10 =	sadd.s32 $0x40, s10;
	v2 =	vadd.s32 v0, v1  }
0x5d: {  	v1 =	vld [tilespmem:s11+$0x186A8];
	[tilespmem:s9+$0x1C6A8] =	vst v2;
	s9 =	smov.u32 s11  }
0x5e: {  	_ =	sdelay $0x3  }
0x5f: {  	v1 =	vadd.s32 v0, v1  }
0x60: {  	[tilespmem:s9+$0x1C6A8] =	vst v1  }
0x61: {  	_ =	swait.ge [sflag:s5], $0x1000  }
0x62: {  	[sflag:s5] =	ssyncset.done $0x0  }
0x63: {  	s9 =	simm.s32 $0x0;
	s10 =	rddreg [dreg:$0xa];
	[sflag:s5] =	ssyncadd.s32 $0xFFFFF000  }
0x64: {  	[tilespmem:s0], [sflag:$0x2] =	stream.linear.gather [hbm4b:s10+s9], $0x1000, $0x38;
	[tilespmem:$0x1E6A8] =	vst v63  }
0x65: {  	s11 =	rddreg [dreg:$0xb]  }
0x66: {  	[tilespmem:s2], [sflag:$0x2] =	stream.linear.gather [hbm4b:s11+s9], $0x1000, $0x38;
	[tilespmem:$0x1E6A8] =	vst v63  }
0x67: {  	_ = 	snop  }
0x68: {  	[spmem:s1] =	stream.indirect.scatter.add.f32 [tilespmem:s29], [sflag:$0x1], $0x1, s4, s3, $0xb8;
	[tilespmem:$0x1E6A8] =	vst v63  }
0x69: {  	_ =	swait.ge [sflag:s31], $0x1000  }
0x6a: {  	[sflag:s31] =	ssyncset.done $0x0  }
0x6b: {  	[sflag:s31] =	ssyncadd.s32 $0xFFFFF000  }
0x6c: {  	_ =	swait.ge [sflag:s31], $0x1000  }
0x6d: {  	[sflag:s31] =	ssyncset.done $0x0  }
0x6e: {  	s9 =	simm.s32 $0x0;
	[sflag:s31] =	ssyncadd.s32 $0xFFFFF000  }
0x6f: {  	s10 =	simm.s32 $0x40;
	v1 =	vld [tilespmem:s9+$0x196A8]  }
.LBB2_8:
0x70: {  	p0 =	sne.s32 s10, $0x3FC0  }
.Ltmp3:
0x71: {  	_ = 	snop;
	(pc) =	sbr.rel @p0 .LBB2_8-.Ltmp3, $3  }
0x72: {  	_ =	sdelay $0x1  }
0x73: {  	s11 =	sshra.s32 s10, $0x2;
	s10 =	sadd.s32 $0x40, s10;
	v2 =	vadd.s32 v0, v1  }
0x74: {  	v1 =	vld [tilespmem:s11+$0x196A8];
	[tilespmem:s9+$0x1D6A8] =	vst v2;
	s9 =	smov.u32 s11  }
0x75: {  	_ =	sdelay $0x3  }
0x76: {  	v1 =	vadd.s32 v0, v1  }
0x77: {  	[tilespmem:s9+$0x1D6A8] =	vst v1  }
0x78: {  	_ =	swait.ge [sflag:s5], $0x1000  }
0x79: {  	[sflag:s5] =	ssyncset.done $0x0  }
0x7a: {  	[sflag:s5] =	ssyncadd.s32 $0xFFFFF000  }
0x7b: {  	[spmem:s1] =	stream.indirect.scatter.add.f32 [tilespmem:s2], [sflag:$0x1], $0x1, s6, s3, $0xb8;
	[tilespmem:$0x1E6A8] =	vst v63  }
0x7c: {  	_ =	swait.ge [sflag:s5], $0x1000  }
0x7d: {  	[sflag:s5] =	ssyncset.done $0x0  }
0x7e: {  	s11 =	simm.s32 $0x0;
	s10 =	rddreg [dreg:$0xc];
	[sflag:s5] =	ssyncadd.s32 $0xFFFFF000  }
0x7f: {  	[tilespmem:s28], [sflag:$0x2] =	stream.linear.gather [hbm4b:s10+s11], $0x1000, $0x38;
	[tilespmem:$0x1E6A8] =	vst v63  }
0x80: {  	_ = 	snop  }
0x81: {  	[tilespmem:s29], [sflag:$0x2] =	stream.linear.gather [hbm4b:s12+s11], $0x1000, $0x38;
	[tilespmem:$0x1E6A8] =	vst v63  }
0x82: {  	[bflag:$0x0] =	sbarrier.arrive $0xFFFF  }
0x83: {  	[hbm:s20], [sflag:s24] =	dma.local [spmem:s8], $0x30D4  }
0x84: {  	_ =	swait.ge [sflag:s30], $0x30D4  }
0x85: {  	[sflag:s30] =	ssyncset.done $0x0  }
0x86: {  	[sflag:s30] =	ssyncadd.s32 $0xFFFFCF2C  }
0x87: {  	[spmem:s8], [sflag:s24] =	dma.local [hbm:s21], $0x30D4  }
0x88: {  	_ =	swait.ge [sflag:s30], $0x30D4  }
0x89: {  	[sflag:s30] =	ssyncset.done $0x0  }
0x8a: {  	[sflag:s30] =	ssyncadd.s32 $0xFFFFCF2C  }
0x8b: {  	[bflag:$0x0] =	sbarrier.arrive $0xFFFF  }
0x8c: {  	_ =	swait.ge [sflag:s31], $0x1000  }
0x8d: {  	[sflag:s31] =	ssyncset.done $0x0  }
0x8e: {  	[sflag:s31] =	ssyncadd.s32 $0xFFFFF000  }
0x8f: {  	_ =	swait.ge [sflag:s31], $0x1000  }
0x90: {  	[sflag:s31] =	ssyncset.done $0x0  }
0x91: {  	s9 =	simm.s32 $0x0;
	[sflag:s31] =	ssyncadd.s32 $0xFFFFF000  }
0x92: {  	s10 =	simm.s32 $0x40;
	v1 =	vld [tilespmem:s9+$0x186A8]  }
.LBB2_10:
0x93: {  	p0 =	sne.s32 s10, $0x3FC0  }
.Ltmp4:
0x94: {  	_ = 	snop;
	(pc) =	sbr.rel @p0 .LBB2_10-.Ltmp4, $3  }
0x95: {  	_ =	sdelay $0x1  }
0x96: {  	s11 =	sshra.s32 s10, $0x2;
	s10 =	sadd.s32 $0x40, s10;
	v2 =	vadd.s32 v0, v1  }
0x97: {  	v1 =	vld [tilespmem:s11+$0x186A8];
	[tilespmem:s9+$0x1C6A8] =	vst v2;
	s9 =	smov.u32 s11  }
0x98: {  	_ =	sdelay $0x3  }
0x99: {  	v1 =	vadd.s32 v0, v1  }
0x9a: {  	s11 =	simm.s32 $0x0;
	[tilespmem:s9+$0x1C6A8] =	vst v1  }
0x9b: {  	[tilespmem:s0], [sflag:$0x2] =	stream.linear.gather [hbm4b:s13+s11], $0x1000, $0x38;
	[tilespmem:$0x1E6A8] =	vst v63  }
0x9c: {  	_ = 	snop  }
0x9d: {  	[tilespmem:s2], [sflag:$0x2] =	stream.linear.gather [hbm4b:s14+s11], $0x1000, $0x38;
	[tilespmem:$0x1E6A8] =	vst v63  }
0x9e: {  	_ = 	snop  }
0x9f: {  	[spmem:s1] =	stream.indirect.scatter.add.f32 [tilespmem:s29], [sflag:$0x1], $0x1, s4, s3, $0xb8;
	[tilespmem:$0x1E6A8] =	vst v63  }
0xa0: {  	_ =	swait.ge [sflag:s31], $0x1000  }
0xa1: {  	[sflag:s31] =	ssyncset.done $0x0  }
0xa2: {  	[sflag:s31] =	ssyncadd.s32 $0xFFFFF000  }
0xa3: {  	_ =	swait.ge [sflag:s31], $0x1000  }
0xa4: {  	[sflag:s31] =	ssyncset.done $0x0  }
0xa5: {  	s9 =	simm.s32 $0x0;
	[sflag:s31] =	ssyncadd.s32 $0xFFFFF000  }
0xa6: {  	s10 =	simm.s32 $0x40;
	v1 =	vld [tilespmem:s9+$0x196A8]  }
.LBB2_12:
0xa7: {  	p0 =	sne.s32 s10, $0x3FC0  }
.Ltmp5:
0xa8: {  	_ = 	snop;
	(pc) =	sbr.rel @p0 .LBB2_12-.Ltmp5, $3  }
0xa9: {  	_ =	sdelay $0x1  }
0xaa: {  	s11 =	sshra.s32 s10, $0x2;
	s10 =	sadd.s32 $0x40, s10;
	v2 =	vadd.s32 v0, v1  }
0xab: {  	v1 =	vld [tilespmem:s11+$0x196A8];
	[tilespmem:s9+$0x1D6A8] =	vst v2;
	s9 =	smov.u32 s11  }
0xac: {  	_ =	sdelay $0x3  }
0xad: {  	v1 =	vadd.s32 v0, v1  }
0xae: {  	[tilespmem:s9+$0x1D6A8] =	vst v1  }
0xaf: {  	_ =	swait.ge [sflag:s5], $0x1000  }
0xb0: {  	[sflag:s5] =	ssyncset.done $0x0  }
0xb1: {  	s11 =	simm.s32 $0x0;
	[sflag:s5] =	ssyncadd.s32 $0xFFFFF000  }
0xb2: {  	[tilespmem:s28], [sflag:$0x2] =	stream.linear.gather [hbm4b:s15+s11], $0x1000, $0x38;
	[tilespmem:$0x1E6A8] =	vst v63  }
0xb3: {  	_ = 	snop  }
0xb4: {  	[tilespmem:s29], [sflag:$0x2] =	stream.linear.gather [hbm4b:s16+s11], $0x1000, $0x38;
	[tilespmem:$0x1E6A8] =	vst v63  }
0xb5: {  	_ = 	snop  }
0xb6: {  	[spmem:s1] =	stream.indirect.scatter.add.f32 [tilespmem:s2], [sflag:$0x1], $0x1, s6, s3, $0xb8;
	[tilespmem:$0x1E6A8] =	vst v63  }
0xb7: {  	_ =	swait.ge [sflag:s31], $0x1000  }
0xb8: {  	[sflag:s31] =	ssyncset.done $0x0  }
0xb9: {  	[sflag:s31] =	ssyncadd.s32 $0xFFFFF000  }
0xba: {  	_ =	swait.ge [sflag:s31], $0x1000  }
0xbb: {  	[sflag:s31] =	ssyncset.done $0x0  }
0xbc: {  	s9 =	simm.s32 $0x0;
	[sflag:s31] =	ssyncadd.s32 $0xFFFFF000  }
0xbd: {  	s10 =	simm.s32 $0x40;
	v1 =	vld [tilespmem:s9+$0x186A8]  }
.LBB2_14:
0xbe: {  	p0 =	sne.s32 s10, $0x3FC0  }
.Ltmp6:
0xbf: {  	_ = 	snop;
	(pc) =	sbr.rel @p0 .LBB2_14-.Ltmp6, $3  }
0xc0: {  	_ =	sdelay $0x1  }
0xc1: {  	s11 =	sshra.s32 s10, $0x2;
	s10 =	sadd.s32 $0x40, s10;
	v2 =	vadd.s32 v0, v1  }
0xc2: {  	v1 =	vld [tilespmem:s11+$0x186A8];
	[tilespmem:s9+$0x1C6A8] =	vst v2;
	s9 =	smov.u32 s11  }
0xc3: {  	_ =	sdelay $0x3  }
0xc4: {  	v1 =	vadd.s32 v0, v1  }
0xc5: {  	[tilespmem:s9+$0x1C6A8] =	vst v1  }
0xc6: {  	_ =	swait.ge [sflag:s5], $0x1000  }
0xc7: {  	[sflag:s5] =	ssyncset.done $0x0  }
0xc8: {  	s11 =	simm.s32 $0x0;
	[sflag:s5] =	ssyncadd.s32 $0xFFFFF000  }
0xc9: {  	[tilespmem:s0], [sflag:$0x2] =	stream.linear.gather [hbm4b:s17+s11], $0x1000, $0x38;
	[tilespmem:$0x1E6A8] =	vst v63  }
0xca: {  	_ = 	snop  }
0xcb: {  	[tilespmem:s2], [sflag:$0x2] =	stream.linear.gather [hbm4b:s18+s11], $0x1000, $0x38;
	[tilespmem:$0x1E6A8] =	vst v63  }
0xcc: {  	_ = 	snop  }
0xcd: {  	[spmem:s1] =	stream.indirect.scatter.add.f32 [tilespmem:s29], [sflag:$0x1], $0x1, s4, s3, $0xb8;
	[tilespmem:$0x1E6A8] =	vst v63  }
0xce: {  	_ =	swait.ge [sflag:s31], $0x1000  }
0xcf: {  	[sflag:s31] =	ssyncset.done $0x0  }
0xd0: {  	[sflag:s31] =	ssyncadd.s32 $0xFFFFF000  }
0xd1: {  	_ =	swait.ge [sflag:s31], $0x1000  }
0xd2: {  	[sflag:s31] =	ssyncset.done $0x0  }
0xd3: {  	s9 =	simm.s32 $0x0;
	[sflag:s31] =	ssyncadd.s32 $0xFFFFF000  }
0xd4: {  	s10 =	simm.s32 $0x40;
	v1 =	vld [tilespmem:s9+$0x196A8]  }
.LBB2_16:
0xd5: {  	p0 =	sne.s32 s10, $0x3FC0  }
.Ltmp7:
0xd6: {  	_ = 	snop;
	(pc) =	sbr.rel @p0 .LBB2_16-.Ltmp7, $3  }
0xd7: {  	_ =	sdelay $0x1  }
0xd8: {  	s11 =	sshra.s32 s10, $0x2;
	s10 =	sadd.s32 $0x40, s10;
	v2 =	vadd.s32 v0, v1  }
0xd9: {  	v1 =	vld [tilespmem:s11+$0x196A8];
	[tilespmem:s9+$0x1D6A8] =	vst v2;
	s9 =	smov.u32 s11  }
0xda: {  	_ =	sdelay $0x3  }
0xdb: {  	v1 =	vadd.s32 v0, v1  }
0xdc: {  	[tilespmem:s9+$0x1D6A8] =	vst v1  }
0xdd: {  	_ =	swait.ge [sflag:s5], $0x1000  }
0xde: {  	[sflag:s5] =	ssyncset.done $0x0  }
0xdf: {  	[sflag:s5] =	ssyncadd.s32 $0xFFFFF000  }
0xe0: {  	[spmem:s1] =	stream.indirect.scatter.add.f32 [tilespmem:s2], [sflag:$0x1], $0x1, s6, s3, $0xb8;
	[tilespmem:$0x1E6A8] =	vst v63  }
0xe1: {  	_ =	swait.ge [sflag:s5], $0x1000  }
0xe2: {  	s7 =	sadd.s32 $0x1, s7;
	[sflag:s5] =	ssyncset.done $0x0  }
0xe3: {  	p0 =	sne.s32 s7, s25;
	[sflag:s5] =	ssyncadd.s32 $0xFFFFF000  }
.Ltmp8:
0xe4: {  	[bflag:$0x0] =	sbarrier.arrive $0xFFFF;
	(pc) =	sbr.rel @p0 .LBB2_1-.Ltmp8, $4  }
0xe5: {  	[hbm:s23], [sflag:s24] =	dma.local [spmem:s8], $0x30D4  }
0xe6: {  	_ =	swait.ge [sflag:s30], $0x30D4  }
0xe7: {  	[sflag:s30] =	ssyncset.done $0x0  }
0xe8: {  	[sflag:s30] =	ssyncadd.s32 $0xFFFFCF2C  }
0xe9: {  	_ =	sfence.sel $0x180000  }
0xea: {  	[bflag:$0x0] =	sbarrier.arrive $0xFFFF  }
0xeb: {  	_ =	strace $0x90000047  }
0xec: {  	s0 =	stileid.u32;
	[bflag:$0x2] =	sbarrier.arrive $0xFFFF  }
0xed: {  	p0 =	sne.s32 s0, $0x0;
	s0 =	rddreg [dreg:$0x3]  }
0xee: {  	s0 =	sadd.s32 @!p0 $0x100000, s0  }
0xef: {  	[sflag:s0] =	ssyncadd.tile.s32 @!p0 $0x1;
	_ =	shalt  }
.Lfunc_end2:
_tile_overlayer_lowered:
.L_overlay_start_2:
0xf0: {  	(tag) =	ssettag $0x2  }
0xf1: {  	s0 =	rddreg [dreg:$0x0];
	s2 =	stileid.u32  }
0xf2: {  	s1 =	rddreg [dreg:$0x1];
	p0 =	sne.s32 s2, $0x0  }
0xf3: {  	s3 =	rddreg [dreg:$0x2];
	[bflag:$0x3] =	sbarrier.arrive $0xFFFF;
	s2 =	simm.s32 @!p0 $0x1C03  }
0xf4: {  	[timem:s3], [sflag:s2] =	dma.local @!p0 [hbm:s0], s1  }
0xf5: {  	s0 =	simm.s32 @!p0 $0x3  }
0xf6: {  	_ =	swait.ge @!p0 [sflag:s0], s1  }
0xf7: {  	s1 =	ssub.s32 @!p0 $0x0, s1;
	[sflag:s0] =	ssyncset.done @!p0 $0x0  }
0xf8: {  	[sflag:s0] =	ssyncadd.s32 @!p0 s1  }
0xf9: {  	[bflag:$0x3] =	sbarrier.arrive $0xFFFF  }
0xfa: {  	_ =	shalt  }

</sc_bundles>
